<compile_context>
chip_gen: v7x
topology: tpu7x:2x2x1
jax: 0.10.2.dev20260603
libtpu: 0.0.44.dev20260713+nightly
codegen_flags: <defaults>
</compile_context>

<pallas_src>
import functools

import jax
import jax.numpy as jnp
from jax import lax
from jax.experimental import pallas as pl
from jax.experimental.pallas import tpu as pltpu
from jax.experimental.pallas import tpu_sc as plsc

_N = 10000
_D = 128
_NC = 2
_NS = 16
_C = 16
_SG = 16
_HALF = 5056
_ZROWS = 16
_HROWS = _N + _ZROWS
_SLAB = 632


def _segsum_body(h_hbm, src_hbm, dst_hbm, zeros_hbm, out_hbm,
                 idx_v, rows_v, h_sh, acc_sh, sem0, sem1):
    cid = lax.axis_index("c")
    sid = lax.axis_index("s")
    chunks = src_hbm.shape[1]
    ch16 = chunks // _NS

    base_h = jnp.minimum(sid * _SLAB, _N - _SLAB)
    pltpu.sync_copy(h_hbm.at[pl.ds(base_h, _SLAB)], h_sh.at[pl.ds(base_h, _SLAB)])

    @pl.when(sid == 0)
    def _():
        pltpu.sync_copy(zeros_hbm.at[pl.ds(0, _ZROWS)], h_sh.at[pl.ds(_N, _ZROWS)])

    @pl.when(sid < 8)
    def _():
        pltpu.sync_copy(zeros_hbm.at[pl.ds(0, _SLAB)],
                        acc_sh.at[pl.ds(sid * _SLAB, _SLAB)])

    plsc.subcore_barrier()

    def drain(buf, sem):
        pltpu.make_async_copy(h_hbm.at[pl.ds(0, _C)], buf, sem).wait()

    def sg_body(s, carry):
        base = sid * ch16 + s * _SG
        pltpu.sync_copy(src_hbm.at[cid, pl.ds(base, _SG)], idx_v.at[pl.ds(0, _SG)])
        pltpu.async_copy(h_sh.at[idx_v.at[0]], rows_v.at[0], sem0)
        pltpu.sync_copy(dst_hbm.at[cid, pl.ds(base, _SG)], idx_v.at[pl.ds(_SG, _SG)])

        def pair_body(k, carry2):
            c = 2 * k
            pltpu.async_copy(h_sh.at[idx_v.at[c + 1]], rows_v.at[1], sem1)
            drain(rows_v.at[0], sem0)
            pltpu.sync_copy(rows_v.at[0], acc_sh.at[idx_v.at[_SG + c]], add=True)

            @pl.when(c + 2 < _SG)
            def _():
                pltpu.async_copy(h_sh.at[idx_v.at[c + 2]], rows_v.at[0], sem0)

            drain(rows_v.at[1], sem1)
            pltpu.sync_copy(rows_v.at[1], acc_sh.at[idx_v.at[_SG + c + 1]], add=True)
            return carry2

        lax.fori_loop(0, _SG // 2, pair_body, 0, unroll=False)
        return carry

    lax.fori_loop(0, ch16 // _SG, sg_body, 0, unroll=False)
    plsc.subcore_barrier()

    @pl.when(sid < 8)
    def _():
        pltpu.sync_copy(acc_sh.at[pl.ds(sid * _SLAB, _SLAB)],
                        out_hbm.at[cid, pl.ds(sid * _SLAB, _SLAB)])


@functools.lru_cache(maxsize=None)
def _make_segsum(chunks):
    return functools.partial(
        pl.kernel,
        out_type=jax.ShapeDtypeStruct((_NC, _HALF, _D), jnp.float32),
        mesh=plsc.VectorSubcoreMesh(core_axis_name="c", subcore_axis_name="s"),
        scratch_types=[
            pltpu.VMEM((2 * _SG, _C), jnp.int32),
            pltpu.VMEM((2, _C, _D), jnp.float32),
            pltpu.VMEM_SHARED((_HROWS, _D), jnp.float32),
            pltpu.VMEM_SHARED((_HALF, _D), jnp.float32),
            pltpu.SemaphoreType.DMA,
            pltpu.SemaphoreType.DMA,
        ],
    )(_segsum_body)


def _layer_body(relu, x_ref, n_ref, wt_ref, wb_ref, b_ref, o_ref):
    acc = jnp.dot(x_ref[...], wt_ref[...], preferred_element_type=jnp.float32)
    acc = acc + jnp.dot(n_ref[...], wb_ref[...], preferred_element_type=jnp.float32)
    acc = acc + b_ref[...]
    o_ref[...] = jnp.maximum(acc, 0.0) if relu else acc


def _layer(x, neigh, W, b, relu):
    blk = 632
    grid = (_NC * _HALF // blk,)
    return pl.pallas_call(
        functools.partial(_layer_body, relu),
        grid=grid,
        in_specs=[
            pl.BlockSpec((blk, _D), lambda i: (i, 0)),
            pl.BlockSpec((blk, _D), lambda i: (i, 0)),
            pl.BlockSpec((_D, _D), lambda i: (0, 0)),
            pl.BlockSpec((_D, _D), lambda i: (0, 0)),
            pl.BlockSpec((1, _D), lambda i: (0, 0)),
        ],
        out_specs=pl.BlockSpec((blk, _D), lambda i: (i, 0)),
        out_shape=jax.ShapeDtypeStruct((_N, _D), jnp.float32),
    )(x, neigh, W[:_D], W[_D:], b.reshape(1, _D))


def kernel(x, edge_index, W1, b1, W2, b2):
    E = edge_index.shape[1]
    dst = edge_index[0]
    src = edge_index[1]
    e_pad = -(-E // (_C * _NS * _SG)) * (_C * _NS * _SG)
    pad = e_pad - E
    src_l = jnp.concatenate([src, jnp.zeros((pad,), jnp.int32)])
    dst_l = jnp.concatenate([dst, jnp.zeros((pad,), jnp.int32)])
    live = jnp.arange(e_pad, dtype=jnp.int32) < E
    zrow = _N + jax.lax.rem(jnp.arange(e_pad, dtype=jnp.int32), _ZROWS)

    src2, dst2 = [], []
    for c in range(_NC):
        in_half = live & (dst_l >= c * _HALF) & (dst_l < (c + 1) * _HALF)
        src2.append(jnp.where(in_half, src_l, zrow))
        dst2.append(jnp.clip(dst_l - c * _HALF, 0, _HALF - 1))
    src2 = jnp.stack(src2).reshape(_NC, e_pad // _C, _C)
    dst2 = jnp.stack(dst2).reshape(_NC, e_pad // _C, _C)
    zeros = jnp.zeros((_SLAB, _D), jnp.float32)

    segsum = _make_segsum(e_pad // _C)
    n1 = segsum(x, src2, dst2, zeros).reshape(_NC * _HALF, _D)
    h1 = _layer(x, n1, W1, b1, relu=True)
    n2 = segsum(h1, src2, dst2, zeros).reshape(_NC * _HALF, _D)
    z = _layer(h1, n2, W2, b2, relu=False)
    return z

# --- scband reference (transcript-rebuilt; emitter-appended) ---
"""Pipeline reference for scband-graph-sage-encoder-78743930404936 (READ-ONLY COPY).

The authoritative reference and input builder live on the scoring server;
editing this copy changes nothing except your own understanding.
"""

import jax, jax.numpy as jnp
import numpy as np

N = 10000
E = 320000
D = 128
H = 128

def setup_inputs(seed: int = 0) -> dict:
    key = jax.random.key(seed)
    ks = jax.random.split(key, 6)
    x = jax.random.normal(ks[0], (N, D), dtype=jnp.float32)
    edge_index = jax.random.randint(ks[1], (2, E), 0, N, dtype=jnp.int32)
    # Learned parameters sized per init_kwargs (num_layers=2 -> one hidden Linear + out Linear)
    W1 = jax.random.normal(ks[2], (2 * D, H), dtype=jnp.float32) * (1.0 / np.sqrt(2 * D))
    b1 = jnp.zeros((H,), dtype=jnp.float32)
    W2 = jax.random.normal(ks[3], (2 * H, H), dtype=jnp.float32) * (1.0 / np.sqrt(2 * H))
    b2 = jnp.zeros((H,), dtype=jnp.float32)
    return {"x": x, "edge_index": edge_index, "W1": W1, "b1": b1, "W2": W2, "b2": b2}

def reference(x, edge_index, W1, b1, W2, b2):
    # adj is a binary sparse COO matrix: adj[dst, src] = 1.0 for each edge.
    # torch.sparse.mm(adj, h) == scatter-add of h[src] into rows dst.
    dst = edge_index[0]
    src = edge_index[1]
    h = x
    # hidden layer (num_layers - 1 == 1)
    neigh = jax.ops.segment_sum(h[src], dst, num_segments=N)
    h = jnp.concatenate([h, neigh], axis=1)
    h = h @ W1 + b1
    h = jax.nn.relu(h)
    # dropout p=0.0 in eval mode: no-op
    # output layer
    neigh = jax.ops.segment_sum(h[src], dst, num_segments=N)
    h = jnp.concatenate([h, neigh], axis=1)
    z = h @ W2 + b2
    return z

if __name__ == "__main__":
    import jax
    _d = setup_inputs()
    print(jax.jit(kernel)(*tuple(_d.values())))

</pallas_src>

<mosaic_0001>
#map = affine_map<(d0, d1) -> (0, 0)>
#map1 = affine_map<(d0, d1) -> (0, 0, 0)>
module attributes {stable_mosaic.version = 14 : i64} {
  func.func @_segsum_body(%arg0: i32, %arg1: i32, %arg2: memref<10000x128xf32, #tpu.memory_space<hbm>>, %arg3: memref<2x20224x16xi32, #tpu.memory_space<hbm>>, %arg4: memref<2x20224x16xi32, #tpu.memory_space<hbm>>, %arg5: memref<632x128xf32, #tpu.memory_space<hbm>>, %arg6: memref<2x5056x128xf32, #tpu.memory_space<hbm>>, %arg7: memref<32x16xi32, #tpu.memory_space<vmem>>, %arg8: memref<2x16x128xf32, #tpu.memory_space<vmem>>, %arg9: memref<10016x128xf32, #tpu.memory_space<vmem_shared>>, %arg10: memref<5056x128xf32, #tpu.memory_space<vmem_shared>>, %arg11: memref<!tpu.dma_semaphore, #tpu.memory_space<semaphore_mem>>, %arg12: memref<!tpu.dma_semaphore, #tpu.memory_space<semaphore_mem>>) attributes {dimension_semantics = [#tpu.dimension_semantics<core_parallel>, #tpu.dimension_semantics<subcore_parallel>], iteration_bounds = array<i64: 2, 16>, scalar_prefetch = 0 : i64, scratch_operands = 6 : i64, tpu.core_type = #tpu.core_type<sc_vector_subcore>, window_params = [{transform_indices = #map}, {transform_indices = #map1}, {transform_indices = #map1}, {transform_indices = #map}, {transform_indices = #map1}]} {
    %mul3A = arith.constant 632 : i32
    %mul3A_0 = arith.muli %arg1, %mul3A : i32
    %min3A = arith.constant 9368 : i32
    %min3A_1 = arith.minsi %mul3A_0, %min3A : i32
    "tpu.region"() ({
      %run_scoped3A = tpu.sem_alloc : memref<!tpu.dma_semaphore, #tpu.memory_space<semaphore_mem>>
      %dma_start3A = arith.constant 0 : i32
      %dma_start3A_19 = tpu.memref_slice %arg9[%min3A_1, %dma_start3A] : memref<10016x128xf32, #tpu.memory_space<vmem_shared>> -> memref<632x128xf32, #tpu.memory_space<vmem_shared>>
      %dma_start3A_20 = arith.constant 0 : i32
      %dma_start3A_21 = tpu.memref_slice %arg2[%min3A_1, %dma_start3A_20] : memref<10000x128xf32, #tpu.memory_space<hbm>> -> memref<632x128xf32, #tpu.memory_space<hbm>>
      tpu.enqueue_dma source(%dma_start3A_21 : memref<632x128xf32, #tpu.memory_space<hbm>>) target(%dma_start3A_19 : memref<632x128xf32, #tpu.memory_space<vmem_shared>>) target_semaphore(%run_scoped3A : memref<!tpu.dma_semaphore, #tpu.memory_space<semaphore_mem>>)
      %dma_wait3A = arith.constant 0 : i32
      %dma_wait3A_22 = tpu.memref_slice %arg9[%min3A_1, %dma_wait3A] : memref<10016x128xf32, #tpu.memory_space<vmem_shared>> -> memref<632x128xf32, #tpu.memory_space<vmem_shared>>
      %dma_wait3A_23 = arith.constant 0 : i32
      %dma_wait3A_24 = tpu.memref_slice %arg2[%min3A_1, %dma_wait3A_23] : memref<10000x128xf32, #tpu.memory_space<hbm>> -> memref<632x128xf32, #tpu.memory_space<hbm>>
      tpu.wait_dma2 semaphore(%run_scoped3A : memref<!tpu.dma_semaphore, #tpu.memory_space<semaphore_mem>>) src(%dma_wait3A_24 : memref<632x128xf32, #tpu.memory_space<hbm>>) dst(%dma_wait3A_22 : memref<632x128xf32, #tpu.memory_space<vmem_shared>>)
      tpu.yield
    }) : () -> ()
    %eq3A = arith.constant 0 : i32
    %eq3A_2 = arith.cmpi eq, %arg1, %eq3A : i32
    %convert_element_type3A = arith.extui %eq3A_2 : i1 to i32
    %cond3A = arith.constant 0 : i32
    %cond3A_3 = arith.cmpi ne, %convert_element_type3A, %cond3A : i32
    scf.if %cond3A_3 {
      "tpu.region"() ({
        %run_scoped3A = tpu.sem_alloc : memref<!tpu.dma_semaphore, #tpu.memory_space<semaphore_mem>>
        %dma_start3A = arith.constant 10000 : i32
        %dma_start3A_19 = arith.constant 0 : i32
        %dma_start3A_20 = tpu.memref_slice %arg9[%dma_start3A, %dma_start3A_19] : memref<10016x128xf32, #tpu.memory_space<vmem_shared>> -> memref<16x128xf32, #tpu.memory_space<vmem_shared>>
        %dma_start3A_21 = arith.constant 0 : i32
        %dma_start3A_22 = arith.constant 0 : i32
        %dma_start3A_23 = tpu.memref_slice %arg5[%dma_start3A_21, %dma_start3A_22] : memref<632x128xf32, #tpu.memory_space<hbm>> -> memref<16x128xf32, #tpu.memory_space<hbm>>
        tpu.enqueue_dma source(%dma_start3A_23 : memref<16x128xf32, #tpu.memory_space<hbm>>) target(%dma_start3A_20 : memref<16x128xf32, #tpu.memory_space<vmem_shared>>) target_semaphore(%run_scoped3A : memref<!tpu.dma_semaphore, #tpu.memory_space<semaphore_mem>>)
        %dma_wait3A = arith.constant 10000 : i32
        %dma_wait3A_24 = arith.constant 0 : i32
        %dma_wait3A_25 = tpu.memref_slice %arg9[%dma_wait3A, %dma_wait3A_24] : memref<10016x128xf32, #tpu.memory_space<vmem_shared>> -> memref<16x128xf32, #tpu.memory_space<vmem_shared>>
        %dma_wait3A_26 = arith.constant 0 : i32
        %dma_wait3A_27 = arith.constant 0 : i32
        %dma_wait3A_28 = tpu.memref_slice %arg5[%dma_wait3A_26, %dma_wait3A_27] : memref<632x128xf32, #tpu.memory_space<hbm>> -> memref<16x128xf32, #tpu.memory_space<hbm>>
        tpu.wait_dma2 semaphore(%run_scoped3A : memref<!tpu.dma_semaphore, #tpu.memory_space<semaphore_mem>>) src(%dma_wait3A_28 : memref<16x128xf32, #tpu.memory_space<hbm>>) dst(%dma_wait3A_25 : memref<16x128xf32, #tpu.memory_space<vmem_shared>>)
        tpu.yield
      }) : () -> ()
    } else {
    }
    %lt3A = arith.constant 8 : i32
    %lt3A_4 = arith.cmpi slt, %arg1, %lt3A : i32
    %convert_element_type3A_5 = arith.extui %lt3A_4 : i1 to i32
    %cond3A_6 = arith.constant 0 : i32
    %cond3A_7 = arith.cmpi ne, %convert_element_type3A_5, %cond3A_6 : i32
    scf.if %cond3A_7 {
      %mul3A_19 = arith.constant 632 : i32
      %mul3A_20 = arith.muli %arg1, %mul3A_19 : i32
      "tpu.region"() ({
        %run_scoped3A = tpu.sem_alloc : memref<!tpu.dma_semaphore, #tpu.memory_space<semaphore_mem>>
        %dma_start3A = arith.constant 0 : i32
        %dma_start3A_21 = tpu.memref_slice %arg10[%mul3A_20, %dma_start3A] : memref<5056x128xf32, #tpu.memory_space<vmem_shared>> -> memref<632x128xf32, #tpu.memory_space<vmem_shared>>
        %dma_start3A_22 = arith.constant 0 : i32
        %dma_start3A_23 = arith.constant 0 : i32
        %dma_start3A_24 = tpu.memref_slice %arg5[%dma_start3A_22, %dma_start3A_23] : memref<632x128xf32, #tpu.memory_space<hbm>> -> memref<632x128xf32, #tpu.memory_space<hbm>>
        tpu.enqueue_dma source(%dma_start3A_24 : memref<632x128xf32, #tpu.memory_space<hbm>>) target(%dma_start3A_21 : memref<632x128xf32, #tpu.memory_space<vmem_shared>>) target_semaphore(%run_scoped3A : memref<!tpu.dma_semaphore, #tpu.memory_space<semaphore_mem>>)
        %dma_wait3A = arith.constant 0 : i32
        %dma_wait3A_25 = tpu.memref_slice %arg10[%mul3A_20, %dma_wait3A] : memref<5056x128xf32, #tpu.memory_space<vmem_shared>> -> memref<632x128xf32, #tpu.memory_space<vmem_shared>>
        %dma_wait3A_26 = arith.constant 0 : i32
        %dma_wait3A_27 = arith.constant 0 : i32
        %dma_wait3A_28 = tpu.memref_slice %arg5[%dma_wait3A_26, %dma_wait3A_27] : memref<632x128xf32, #tpu.memory_space<hbm>> -> memref<632x128xf32, #tpu.memory_space<hbm>>
        tpu.wait_dma2 semaphore(%run_scoped3A : memref<!tpu.dma_semaphore, #tpu.memory_space<semaphore_mem>>) src(%dma_wait3A_28 : memref<632x128xf32, #tpu.memory_space<hbm>>) dst(%dma_wait3A_25 : memref<632x128xf32, #tpu.memory_space<vmem_shared>>)
        tpu.yield
      }) : () -> ()
    } else {
    }
    %barrier3A = arith.constant 0 : index
    tpu.barrier barrier_id(%barrier3A)
    %scan3A = arith.constant 0 : i32
    %scan3A_8 = arith.constant 0 : i32
    %scan3A_9 = arith.constant 79 : i32
    %scan3A_10 = arith.addi %scan3A_8, %scan3A_9 : i32
    %scan3A_11 = arith.constant 1 : i32
    scf.for %scan3A_19 = %scan3A_8 to %scan3A_10 step %scan3A_11  : i32 {
      %mul3A_20 = arith.constant 1264 : i32
      %mul3A_21 = arith.muli %arg1, %mul3A_20 : i32
      %mul3A_22 = arith.constant 16 : i32
      %mul3A_23 = arith.muli %scan3A_19, %mul3A_22 : i32
      %add3A = arith.addi %mul3A_21, %mul3A_23 : i32
      "tpu.region"() ({
        %run_scoped3A = tpu.sem_alloc : memref<!tpu.dma_semaphore, #tpu.memory_space<semaphore_mem>>
        %dma_start3A_41 = arith.constant 0 : i32
        %dma_start3A_42 = arith.constant 0 : i32
        %dma_start3A_43 = tpu.memref_slice %arg7[%dma_start3A_41, %dma_start3A_42] : memref<32x16xi32, #tpu.memory_space<vmem>> -> memref<16x16xi32, #tpu.memory_space<vmem>>
        %dma_start3A_44 = arith.constant 0 : i32
        %dma_start3A_45 = tpu.memref_slice %arg3[%arg0, %add3A, %dma_start3A_44] : memref<2x20224x16xi32, #tpu.memory_space<hbm>> -> memref<1x16x16xi32, #tpu.memory_space<hbm>>
        %dma_start3A_46 = tpu.memref_squeeze %dma_start3A_45 : memref<1x16x16xi32, #tpu.memory_space<hbm>> -> memref<16x16xi32, #tpu.memory_space<hbm>>
        %dma_start3A_47 = arith.constant 0 : i32
        %dma_start3A_48 = arith.constant 0 : i32
        %dma_start3A_49 = tpu.memref_slice %arg7[%dma_start3A_47, %dma_start3A_48] : memref<32x16xi32, #tpu.memory_space<vmem>> -> memref<16x16xi32, #tpu.memory_space<vmem>>
        %dma_start3A_50 = arith.constant 0 : i32
        %dma_start3A_51 = tpu.memref_slice %arg3[%arg0, %add3A, %dma_start3A_50] : memref<2x20224x16xi32, #tpu.memory_space<hbm>> -> memref<1x16x16xi32, #tpu.memory_space<hbm>>
        %dma_start3A_52 = tpu.memref_squeeze %dma_start3A_51 : memref<1x16x16xi32, #tpu.memory_space<hbm>> -> memref<16x16xi32, #tpu.memory_space<hbm>>
        tpu.enqueue_dma source(%dma_start3A_52 : memref<16x16xi32, #tpu.memory_space<hbm>>) target(%dma_start3A_49 : memref<16x16xi32, #tpu.memory_space<vmem>>) target_semaphore(%run_scoped3A : memref<!tpu.dma_semaphore, #tpu.memory_space<semaphore_mem>>)
        %dma_wait3A = arith.constant 0 : i32
        %dma_wait3A_53 = arith.constant 0 : i32
        %dma_wait3A_54 = tpu.memref_slice %arg7[%dma_wait3A, %dma_wait3A_53] : memref<32x16xi32, #tpu.memory_space<vmem>> -> memref<16x16xi32, #tpu.memory_space<vmem>>
        %dma_wait3A_55 = arith.constant 0 : i32
        %dma_wait3A_56 = tpu.memref_slice %arg3[%arg0, %add3A, %dma_wait3A_55] : memref<2x20224x16xi32, #tpu.memory_space<hbm>> -> memref<1x16x16xi32, #tpu.memory_space<hbm>>
        %dma_wait3A_57 = tpu.memref_squeeze %dma_wait3A_56 : memref<1x16x16xi32, #tpu.memory_space<hbm>> -> memref<16x16xi32, #tpu.memory_space<hbm>>
        %dma_wait3A_58 = arith.constant 0 : i32
        %dma_wait3A_59 = arith.constant 0 : i32
        %dma_wait3A_60 = tpu.memref_slice %arg7[%dma_wait3A_58, %dma_wait3A_59] : memref<32x16xi32, #tpu.memory_space<vmem>> -> memref<16x16xi32, #tpu.memory_space<vmem>>
        %dma_wait3A_61 = arith.constant 0 : i32
        %dma_wait3A_62 = tpu.memref_slice %arg3[%arg0, %add3A, %dma_wait3A_61] : memref<2x20224x16xi32, #tpu.memory_space<hbm>> -> memref<1x16x16xi32, #tpu.memory_space<hbm>>
        %dma_wait3A_63 = tpu.memref_squeeze %dma_wait3A_62 : memref<1x16x16xi32, #tpu.memory_space<hbm>> -> memref<16x16xi32, #tpu.memory_space<hbm>>
        tpu.wait_dma2 semaphore(%run_scoped3A : memref<!tpu.dma_semaphore, #tpu.memory_space<semaphore_mem>>) src(%dma_wait3A_63 : memref<16x16xi32, #tpu.memory_space<hbm>>) dst(%dma_wait3A_60 : memref<16x16xi32, #tpu.memory_space<vmem>>)
        tpu.yield
      }) : () -> ()
      %dma_start3A = arith.constant 0 : i32
      %dma_start3A_24 = arith.constant 0 : i32
      %dma_start3A_25 = arith.constant 0 : i32
      %dma_start3A_26 = arith.constant 0 : i32
      %dma_start3A_27 = tpu.memref_slice %arg8[%dma_start3A_24, %dma_start3A_25, %dma_start3A_26] : memref<2x16x128xf32, #tpu.memory_space<vmem>> -> memref<1x16x128xf32, #tpu.memory_space<vmem>>
      %dma_start3A_28 = tpu.memref_squeeze %dma_start3A_27 : memref<1x16x128xf32, #tpu.memory_space<vmem>> -> memref<16x128xf32, #tpu.memory_space<vmem>>
      %dma_start3A_29 = arith.constant 0 : i32
      %dma_start3A_30 = tpu.memref_slice %arg7[%dma_start3A, %dma_start3A_29] : memref<32x16xi32, #tpu.memory_space<vmem>> -> memref<1x16xi32, #tpu.memory_space<vmem>>
      %dma_start3A_31 = tpu.memref_squeeze %dma_start3A_30 : memref<1x16xi32, #tpu.memory_space<vmem>> -> memref<16xi32, #tpu.memory_space<vmem>>
      %dma_start3A_32 = arith.constant 0 : i32
      %dma_start3A_33 = arith.constant 0 : i32
      %dma_start3A_34 = tpu.memref_slice %arg9[%dma_start3A_32, %dma_start3A_33] : memref<10016x128xf32, #tpu.memory_space<vmem_shared>> -> memref<10016x128xf32, #tpu.memory_space<vmem_shared>>
      tpu.enqueue_indirect_dma source(%dma_start3A_34 : memref<10016x128xf32, #tpu.memory_space<vmem_shared>>) target(%dma_start3A_28 : memref<16x128xf32, #tpu.memory_space<vmem>>) offsets(%dma_start3A_31 : memref<16xi32, #tpu.memory_space<vmem>>) semaphore(%arg11 : memref<!tpu.dma_semaphore, #tpu.memory_space<semaphore_mem>>)
      "tpu.region"() ({
        %run_scoped3A = tpu.sem_alloc : memref<!tpu.dma_semaphore, #tpu.memory_space<semaphore_mem>>
        %dma_start3A_41 = arith.constant 16 : i32
        %dma_start3A_42 = arith.constant 0 : i32
        %dma_start3A_43 = tpu.memref_slice %arg7[%dma_start3A_41, %dma_start3A_42] : memref<32x16xi32, #tpu.memory_space<vmem>> -> memref<16x16xi32, #tpu.memory_space<vmem>>
        %dma_start3A_44 = arith.constant 0 : i32
        %dma_start3A_45 = tpu.memref_slice %arg4[%arg0, %add3A, %dma_start3A_44] : memref<2x20224x16xi32, #tpu.memory_space<hbm>> -> memref<1x16x16xi32, #tpu.memory_space<hbm>>
        %dma_start3A_46 = tpu.memref_squeeze %dma_start3A_45 : memref<1x16x16xi32, #tpu.memory_space<hbm>> -> memref<16x16xi32, #tpu.memory_space<hbm>>
        %dma_start3A_47 = arith.constant 16 : i32
        %dma_start3A_48 = arith.constant 0 : i32
        %dma_start3A_49 = tpu.memref_slice %arg7[%dma_start3A_47, %dma_start3A_48] : memref<32x16xi32, #tpu.memory_space<vmem>> -> memref<16x16xi32, #tpu.memory_space<vmem>>
        %dma_start3A_50 = arith.constant 0 : i32
        %dma_start3A_51 = tpu.memref_slice %arg4[%arg0, %add3A, %dma_start3A_50] : memref<2x20224x16xi32, #tpu.memory_space<hbm>> -> memref<1x16x16xi32, #tpu.memory_space<hbm>>
        %dma_start3A_52 = tpu.memref_squeeze %dma_start3A_51 : memref<1x16x16xi32, #tpu.memory_space<hbm>> -> memref<16x16xi32, #tpu.memory_space<hbm>>
        tpu.enqueue_dma source(%dma_start3A_52 : memref<16x16xi32, #tpu.memory_space<hbm>>) target(%dma_start3A_49 : memref<16x16xi32, #tpu.memory_space<vmem>>) target_semaphore(%run_scoped3A : memref<!tpu.dma_semaphore, #tpu.memory_space<semaphore_mem>>)
        %dma_wait3A = arith.constant 16 : i32
        %dma_wait3A_53 = arith.constant 0 : i32
        %dma_wait3A_54 = tpu.memref_slice %arg7[%dma_wait3A, %dma_wait3A_53] : memref<32x16xi32, #tpu.memory_space<vmem>> -> memref<16x16xi32, #tpu.memory_space<vmem>>
        %dma_wait3A_55 = arith.constant 0 : i32
        %dma_wait3A_56 = tpu.memref_slice %arg4[%arg0, %add3A, %dma_wait3A_55] : memref<2x20224x16xi32, #tpu.memory_space<hbm>> -> memref<1x16x16xi32, #tpu.memory_space<hbm>>
        %dma_wait3A_57 = tpu.memref_squeeze %dma_wait3A_56 : memref<1x16x16xi32, #tpu.memory_space<hbm>> -> memref<16x16xi32, #tpu.memory_space<hbm>>
        %dma_wait3A_58 = arith.constant 16 : i32
        %dma_wait3A_59 = arith.constant 0 : i32
        %dma_wait3A_60 = tpu.memref_slice %arg7[%dma_wait3A_58, %dma_wait3A_59] : memref<32x16xi32, #tpu.memory_space<vmem>> -> memref<16x16xi32, #tpu.memory_space<vmem>>
        %dma_wait3A_61 = arith.constant 0 : i32
        %dma_wait3A_62 = tpu.memref_slice %arg4[%arg0, %add3A, %dma_wait3A_61] : memref<2x20224x16xi32, #tpu.memory_space<hbm>> -> memref<1x16x16xi32, #tpu.memory_space<hbm>>
        %dma_wait3A_63 = tpu.memref_squeeze %dma_wait3A_62 : memref<1x16x16xi32, #tpu.memory_space<hbm>> -> memref<16x16xi32, #tpu.memory_space<hbm>>
        tpu.wait_dma2 semaphore(%run_scoped3A : memref<!tpu.dma_semaphore, #tpu.memory_space<semaphore_mem>>) src(%dma_wait3A_63 : memref<16x16xi32, #tpu.memory_space<hbm>>) dst(%dma_wait3A_60 : memref<16x16xi32, #tpu.memory_space<vmem>>)
        tpu.yield
      }) : () -> ()
      %scan3A_35 = arith.constant 0 : i32
      %scan3A_36 = arith.constant 0 : i32
      %scan3A_37 = arith.constant 8 : i32
      %scan3A_38 = arith.addi %scan3A_36, %scan3A_37 : i32
      %scan3A_39 = arith.constant 1 : i32
      scf.for %scan3A_41 = %scan3A_36 to %scan3A_38 step %scan3A_39  : i32 {
        %mul3A_42 = arith.constant 2 : i32
        %mul3A_43 = arith.muli %mul3A_42, %scan3A_41 : i32
        %add3A_44 = arith.constant 1 : i32
        %add3A_45 = arith.addi %mul3A_43, %add3A_44 : i32
        %dma_start3A_46 = arith.constant 1 : i32
        %dma_start3A_47 = arith.constant 0 : i32
        %dma_start3A_48 = arith.constant 0 : i32
        %dma_start3A_49 = tpu.memref_slice %arg8[%dma_start3A_46, %dma_start3A_47, %dma_start3A_48] : memref<2x16x128xf32, #tpu.memory_space<vmem>> -> memref<1x16x128xf32, #tpu.memory_space<vmem>>
        %dma_start3A_50 = tpu.memref_squeeze %dma_start3A_49 : memref<1x16x128xf32, #tpu.memory_space<vmem>> -> memref<16x128xf32, #tpu.memory_space<vmem>>
        %dma_start3A_51 = arith.constant 0 : i32
        %dma_start3A_52 = tpu.memref_slice %arg7[%add3A_45, %dma_start3A_51] : memref<32x16xi32, #tpu.memory_space<vmem>> -> memref<1x16xi32, #tpu.memory_space<vmem>>
        %dma_start3A_53 = tpu.memref_squeeze %dma_start3A_52 : memref<1x16xi32, #tpu.memory_space<vmem>> -> memref<16xi32, #tpu.memory_space<vmem>>
        %dma_start3A_54 = arith.constant 0 : i32
        %dma_start3A_55 = arith.constant 0 : i32
        %dma_start3A_56 = tpu.memref_slice %arg9[%dma_start3A_54, %dma_start3A_55] : memref<10016x128xf32, #tpu.memory_space<vmem_shared>> -> memref<10016x128xf32, #tpu.memory_space<vmem_shared>>
        tpu.enqueue_indirect_dma source(%dma_start3A_56 : memref<10016x128xf32, #tpu.memory_space<vmem_shared>>) target(%dma_start3A_50 : memref<16x128xf32, #tpu.memory_space<vmem>>) offsets(%dma_start3A_53 : memref<16xi32, #tpu.memory_space<vmem>>) semaphore(%arg12 : memref<!tpu.dma_semaphore, #tpu.memory_space<semaphore_mem>>)
        %dma_wait3A = arith.constant 0 : i32
        %dma_wait3A_57 = arith.constant 0 : i32
        %dma_wait3A_58 = arith.constant 0 : i32
        %dma_wait3A_59 = tpu.memref_slice %arg8[%dma_wait3A, %dma_wait3A_57, %dma_wait3A_58] : memref<2x16x128xf32, #tpu.memory_space<vmem>> -> memref<1x16x128xf32, #tpu.memory_space<vmem>>
        %dma_wait3A_60 = tpu.memref_squeeze %dma_wait3A_59 : memref<1x16x128xf32, #tpu.memory_space<vmem>> -> memref<16x128xf32, #tpu.memory_space<vmem>>
        %dma_wait3A_61 = arith.constant 0 : i32
        %dma_wait3A_62 = arith.constant 0 : i32
        %dma_wait3A_63 = tpu.memref_slice %arg2[%dma_wait3A_61, %dma_wait3A_62] : memref<10000x128xf32, #tpu.memory_space<hbm>> -> memref<16x128xf32, #tpu.memory_space<hbm>>
        %dma_wait3A_64 = arith.constant 0 : i32
        %dma_wait3A_65 = arith.constant 0 : i32
        %dma_wait3A_66 = tpu.memref_slice %arg8[%dma_wait3A, %dma_wait3A_64, %dma_wait3A_65] : memref<2x16x128xf32, #tpu.memory_space<vmem>> -> memref<1x16x128xf32, #tpu.memory_space<vmem>>
        %dma_wait3A_67 = tpu.memref_squeeze %dma_wait3A_66 : memref<1x16x128xf32, #tpu.memory_space<vmem>> -> memref<16x128xf32, #tpu.memory_space<vmem>>
        %dma_wait3A_68 = arith.constant 0 : i32
        %dma_wait3A_69 = arith.constant 0 : i32
        %dma_wait3A_70 = tpu.memref_slice %arg2[%dma_wait3A_68, %dma_wait3A_69] : memref<10000x128xf32, #tpu.memory_space<hbm>> -> memref<16x128xf32, #tpu.memory_space<hbm>>
        tpu.wait_dma2 semaphore(%arg11 : memref<!tpu.dma_semaphore, #tpu.memory_space<semaphore_mem>>) src(%dma_wait3A_70 : memref<16x128xf32, #tpu.memory_space<hbm>>) dst(%dma_wait3A_67 : memref<16x128xf32, #tpu.memory_space<vmem>>)
        %add3A_71 = arith.constant 16 : i32
        %add3A_72 = arith.addi %add3A_71, %mul3A_43 : i32
        %run_scoped3A = arith.constant 0 : i32
        "tpu.region"() ({
          %run_scoped3A_100 = tpu.sem_alloc : memref<!tpu.dma_semaphore, #tpu.memory_space<semaphore_mem>>
          %dma_start3A_101 = arith.constant 0 : i32
          %dma_start3A_102 = arith.constant 0 : i32
          %dma_start3A_103 = tpu.memref_slice %arg8[%run_scoped3A, %dma_start3A_101, %dma_start3A_102] : memref<2x16x128xf32, #tpu.memory_space<vmem>> -> memref<1x16x128xf32, #tpu.memory_space<vmem>>
          %dma_start3A_104 = tpu.memref_squeeze %dma_start3A_103 : memref<1x16x128xf32, #tpu.memory_space<vmem>> -> memref<16x128xf32, #tpu.memory_space<vmem>>
          %dma_start3A_105 = arith.constant 0 : i32
          %dma_start3A_106 = tpu.memref_slice %arg7[%add3A_72, %dma_start3A_105] : memref<32x16xi32, #tpu.memory_space<vmem>> -> memref<1x16xi32, #tpu.memory_space<vmem>>
          %dma_start3A_107 = tpu.memref_squeeze %dma_start3A_106 : memref<1x16xi32, #tpu.memory_space<vmem>> -> memref<16xi32, #tpu.memory_space<vmem>>
          %dma_start3A_108 = arith.constant 0 : i32
          %dma_start3A_109 = arith.constant 0 : i32
          %dma_start3A_110 = tpu.memref_slice %arg10[%dma_start3A_108, %dma_start3A_109] : memref<5056x128xf32, #tpu.memory_space<vmem_shared>> -> memref<5056x128xf32, #tpu.memory_space<vmem_shared>>
          tpu.enqueue_indirect_dma source(%dma_start3A_104 : memref<16x128xf32, #tpu.memory_space<vmem>>) target(%dma_start3A_110 : memref<5056x128xf32, #tpu.memory_space<vmem_shared>>) offsets(%dma_start3A_107 : memref<16xi32, #tpu.memory_space<vmem>>) semaphore(%run_scoped3A_100 : memref<!tpu.dma_semaphore, #tpu.memory_space<semaphore_mem>>) {add = true}
          %dma_wait3A_111 = arith.constant 0 : i32
          %dma_wait3A_112 = arith.constant 0 : i32
          %dma_wait3A_113 = tpu.memref_slice %arg8[%run_scoped3A, %dma_wait3A_111, %dma_wait3A_112] : memref<2x16x128xf32, #tpu.memory_space<vmem>> -> memref<1x16x128xf32, #tpu.memory_space<vmem>>
          %dma_wait3A_114 = tpu.memref_squeeze %dma_wait3A_113 : memref<1x16x128xf32, #tpu.memory_space<vmem>> -> memref<16x128xf32, #tpu.memory_space<vmem>>
          %dma_wait3A_115 = arith.constant 0 : i32
          %dma_wait3A_116 = tpu.memref_slice %arg7[%add3A_72, %dma_wait3A_115] : memref<32x16xi32, #tpu.memory_space<vmem>> -> memref<1x16xi32, #tpu.memory_space<vmem>>
          %dma_wait3A_117 = tpu.memref_squeeze %dma_wait3A_116 : memref<1x16xi32, #tpu.memory_space<vmem>> -> memref<16xi32, #tpu.memory_space<vmem>>
          %dma_wait3A_118 = arith.constant 0 : i32
          %dma_wait3A_119 = arith.constant 0 : i32
          %dma_wait3A_120 = tpu.memref_slice %arg10[%dma_wait3A_118, %dma_wait3A_119] : memref<5056x128xf32, #tpu.memory_space<vmem_shared>> -> memref<5056x128xf32, #tpu.memory_space<vmem_shared>>
          tpu.wait_indirect_dma semaphore(%run_scoped3A_100 : memref<!tpu.dma_semaphore, #tpu.memory_space<semaphore_mem>>) src(%dma_wait3A_114 : memref<16x128xf32, #tpu.memory_space<vmem>>) dst(%dma_wait3A_120 : memref<5056x128xf32, #tpu.memory_space<vmem_shared>>)
          tpu.yield
        }) : () -> ()
        %add3A_73 = arith.constant 2 : i32
        %add3A_74 = arith.addi %mul3A_43, %add3A_73 : i32
        %lt3A_75 = arith.constant 16 : i32
        %lt3A_76 = arith.cmpi slt, %add3A_74, %lt3A_75 : i32
        %convert_element_type3A_77 = arith.extui %lt3A_76 : i1 to i32
        %cond3A_78 = arith.constant 0 : i32
        %cond3A_79 = arith.cmpi ne, %convert_element_type3A_77, %cond3A_78 : i32
        scf.if %cond3A_79 {
          %add3A_100 = arith.constant 2 : i32
          %add3A_101 = arith.addi %mul3A_43, %add3A_100 : i32
          %dma_start3A_102 = arith.constant 0 : i32
          %dma_start3A_103 = arith.constant 0 : i32
          %dma_start3A_104 = arith.constant 0 : i32
          %dma_start3A_105 = tpu.memref_slice %arg8[%dma_start3A_102, %dma_start3A_103, %dma_start3A_104] : memref<2x16x128xf32, #tpu.memory_space<vmem>> -> memref<1x16x128xf32, #tpu.memory_space<vmem>>
          %dma_start3A_106 = tpu.memref_squeeze %dma_start3A_105 : memref<1x16x128xf32, #tpu.memory_space<vmem>> -> memref<16x128xf32, #tpu.memory_space<vmem>>
          %dma_start3A_107 = arith.constant 0 : i32
          %dma_start3A_108 = tpu.memref_slice %arg7[%add3A_101, %dma_start3A_107] : memref<32x16xi32, #tpu.memory_space<vmem>> -> memref<1x16xi32, #tpu.memory_space<vmem>>
          %dma_start3A_109 = tpu.memref_squeeze %dma_start3A_108 : memref<1x16xi32, #tpu.memory_space<vmem>> -> memref<16xi32, #tpu.memory_space<vmem>>
          %dma_start3A_110 = arith.constant 0 : i32
          %dma_start3A_111 = arith.constant 0 : i32
          %dma_start3A_112 = tpu.memref_slice %arg9[%dma_start3A_110, %dma_start3A_111] : memref<10016x128xf32, #tpu.memory_space<vmem_shared>> -> memref<10016x128xf32, #tpu.memory_space<vmem_shared>>
          tpu.enqueue_indirect_dma source(%dma_start3A_112 : memref<10016x128xf32, #tpu.memory_space<vmem_shared>>) target(%dma_start3A_106 : memref<16x128xf32, #tpu.memory_space<vmem>>) offsets(%dma_start3A_109 : memref<16xi32, #tpu.memory_space<vmem>>) semaphore(%arg11 : memref<!tpu.dma_semaphore, #tpu.memory_space<semaphore_mem>>)
        } else {
        }
        %dma_wait3A_80 = arith.constant 1 : i32
        %dma_wait3A_81 = arith.constant 0 : i32
        %dma_wait3A_82 = arith.constant 0 : i32
        %dma_wait3A_83 = tpu.memref_slice %arg8[%dma_wait3A_80, %dma_wait3A_81, %dma_wait3A_82] : memref<2x16x128xf32, #tpu.memory_space<vmem>> -> memref<1x16x128xf32, #tpu.memory_space<vmem>>
        %dma_wait3A_84 = tpu.memref_squeeze %dma_wait3A_83 : memref<1x16x128xf32, #tpu.memory_space<vmem>> -> memref<16x128xf32, #tpu.memory_space<vmem>>
        %dma_wait3A_85 = arith.constant 0 : i32
        %dma_wait3A_86 = arith.constant 0 : i32
        %dma_wait3A_87 = tpu.memref_slice %arg2[%dma_wait3A_85, %dma_wait3A_86] : memref<10000x128xf32, #tpu.memory_space<hbm>> -> memref<16x128xf32, #tpu.memory_space<hbm>>
        %dma_wait3A_88 = arith.constant 0 : i32
        %dma_wait3A_89 = arith.constant 0 : i32
        %dma_wait3A_90 = tpu.memref_slice %arg8[%dma_wait3A_80, %dma_wait3A_88, %dma_wait3A_89] : memref<2x16x128xf32, #tpu.memory_space<vmem>> -> memref<1x16x128xf32, #tpu.memory_space<vmem>>
        %dma_wait3A_91 = tpu.memref_squeeze %dma_wait3A_90 : memref<1x16x128xf32, #tpu.memory_space<vmem>> -> memref<16x128xf32, #tpu.memory_space<vmem>>
        %dma_wait3A_92 = arith.constant 0 : i32
        %dma_wait3A_93 = arith.constant 0 : i32
        %dma_wait3A_94 = tpu.memref_slice %arg2[%dma_wait3A_92, %dma_wait3A_93] : memref<10000x128xf32, #tpu.memory_space<hbm>> -> memref<16x128xf32, #tpu.memory_space<hbm>>
        tpu.wait_dma2 semaphore(%arg12 : memref<!tpu.dma_semaphore, #tpu.memory_space<semaphore_mem>>) src(%dma_wait3A_94 : memref<16x128xf32, #tpu.memory_space<hbm>>) dst(%dma_wait3A_91 : memref<16x128xf32, #tpu.memory_space<vmem>>)
        %add3A_95 = arith.constant 16 : i32
        %add3A_96 = arith.addi %add3A_95, %mul3A_43 : i32
        %add3A_97 = arith.constant 1 : i32
        %add3A_98 = arith.addi %add3A_96, %add3A_97 : i32
        %run_scoped3A_99 = arith.constant 1 : i32
        "tpu.region"() ({
          %run_scoped3A_100 = tpu.sem_alloc : memref<!tpu.dma_semaphore, #tpu.memory_space<semaphore_mem>>
          %dma_start3A_101 = arith.constant 0 : i32
          %dma_start3A_102 = arith.constant 0 : i32
          %dma_start3A_103 = tpu.memref_slice %arg8[%run_scoped3A_99, %dma_start3A_101, %dma_start3A_102] : memref<2x16x128xf32, #tpu.memory_space<vmem>> -> memref<1x16x128xf32, #tpu.memory_space<vmem>>
          %dma_start3A_104 = tpu.memref_squeeze %dma_start3A_103 : memref<1x16x128xf32, #tpu.memory_space<vmem>> -> memref<16x128xf32, #tpu.memory_space<vmem>>
          %dma_start3A_105 = arith.constant 0 : i32
          %dma_start3A_106 = tpu.memref_slice %arg7[%add3A_98, %dma_start3A_105] : memref<32x16xi32, #tpu.memory_space<vmem>> -> memref<1x16xi32, #tpu.memory_space<vmem>>
          %dma_start3A_107 = tpu.memref_squeeze %dma_start3A_106 : memref<1x16xi32, #tpu.memory_space<vmem>> -> memref<16xi32, #tpu.memory_space<vmem>>
          %dma_start3A_108 = arith.constant 0 : i32
          %dma_start3A_109 = arith.constant 0 : i32
          %dma_start3A_110 = tpu.memref_slice %arg10[%dma_start3A_108, %dma_start3A_109] : memref<5056x128xf32, #tpu.memory_space<vmem_shared>> -> memref<5056x128xf32, #tpu.memory_space<vmem_shared>>
          tpu.enqueue_indirect_dma source(%dma_start3A_104 : memref<16x128xf32, #tpu.memory_space<vmem>>) target(%dma_start3A_110 : memref<5056x128xf32, #tpu.memory_space<vmem_shared>>) offsets(%dma_start3A_107 : memref<16xi32, #tpu.memory_space<vmem>>) semaphore(%run_scoped3A_100 : memref<!tpu.dma_semaphore, #tpu.memory_space<semaphore_mem>>) {add = true}
          %dma_wait3A_111 = arith.constant 0 : i32
          %dma_wait3A_112 = arith.constant 0 : i32
          %dma_wait3A_113 = tpu.memref_slice %arg8[%run_scoped3A_99, %dma_wait3A_111, %dma_wait3A_112] : memref<2x16x128xf32, #tpu.memory_space<vmem>> -> memref<1x16x128xf32, #tpu.memory_space<vmem>>
          %dma_wait3A_114 = tpu.memref_squeeze %dma_wait3A_113 : memref<1x16x128xf32, #tpu.memory_space<vmem>> -> memref<16x128xf32, #tpu.memory_space<vmem>>
          %dma_wait3A_115 = arith.constant 0 : i32
          %dma_wait3A_116 = tpu.memref_slice %arg7[%add3A_98, %dma_wait3A_115] : memref<32x16xi32, #tpu.memory_space<vmem>> -> memref<1x16xi32, #tpu.memory_space<vmem>>
          %dma_wait3A_117 = tpu.memref_squeeze %dma_wait3A_116 : memref<1x16xi32, #tpu.memory_space<vmem>> -> memref<16xi32, #tpu.memory_space<vmem>>
          %dma_wait3A_118 = arith.constant 0 : i32
          %dma_wait3A_119 = arith.constant 0 : i32
          %dma_wait3A_120 = tpu.memref_slice %arg10[%dma_wait3A_118, %dma_wait3A_119] : memref<5056x128xf32, #tpu.memory_space<vmem_shared>> -> memref<5056x128xf32, #tpu.memory_space<vmem_shared>>
          tpu.wait_indirect_dma semaphore(%run_scoped3A_100 : memref<!tpu.dma_semaphore, #tpu.memory_space<semaphore_mem>>) src(%dma_wait3A_114 : memref<16x128xf32, #tpu.memory_space<vmem>>) dst(%dma_wait3A_120 : memref<5056x128xf32, #tpu.memory_space<vmem_shared>>)
          tpu.yield
        }) : () -> ()
      }
      %scan3A_40 = arith.constant 8 : i32
    }
    %scan3A_12 = arith.constant 79 : i32
    %barrier3A_13 = arith.constant 0 : index
    tpu.barrier barrier_id(%barrier3A_13)
    %lt3A_14 = arith.constant 8 : i32
    %lt3A_15 = arith.cmpi slt, %arg1, %lt3A_14 : i32
    %convert_element_type3A_16 = arith.extui %lt3A_15 : i1 to i32
    %cond3A_17 = arith.constant 0 : i32
    %cond3A_18 = arith.cmpi ne, %convert_element_type3A_16, %cond3A_17 : i32
    scf.if %cond3A_18 {
      %mul3A_19 = arith.constant 632 : i32
      %mul3A_20 = arith.muli %arg1, %mul3A_19 : i32
      %mul3A_21 = arith.constant 632 : i32
      %mul3A_22 = arith.muli %arg1, %mul3A_21 : i32
      "tpu.region"() ({
        %run_scoped3A = tpu.sem_alloc : memref<!tpu.dma_semaphore, #tpu.memory_space<semaphore_mem>>
        %dma_start3A = arith.constant 0 : i32
        %dma_start3A_23 = tpu.memref_slice %arg6[%arg0, %mul3A_22, %dma_start3A] : memref<2x5056x128xf32, #tpu.memory_space<hbm>> -> memref<1x632x128xf32, #tpu.memory_space<hbm>>
        %dma_start3A_24 = tpu.memref_squeeze %dma_start3A_23 : memref<1x632x128xf32, #tpu.memory_space<hbm>> -> memref<632x128xf32, #tpu.memory_space<hbm>>
        %dma_start3A_25 = arith.constant 0 : i32
        %dma_start3A_26 = tpu.memref_slice %arg10[%mul3A_20, %dma_start3A_25] : memref<5056x128xf32, #tpu.memory_space<vmem_shared>> -> memref<632x128xf32, #tpu.memory_space<vmem_shared>>
        tpu.enqueue_dma source(%dma_start3A_26 : memref<632x128xf32, #tpu.memory_space<vmem_shared>>) target(%dma_start3A_24 : memref<632x128xf32, #tpu.memory_space<hbm>>) target_semaphore(%run_scoped3A : memref<!tpu.dma_semaphore, #tpu.memory_space<semaphore_mem>>)
        %dma_wait3A = arith.constant 0 : i32
        %dma_wait3A_27 = tpu.memref_slice %arg6[%arg0, %mul3A_22, %dma_wait3A] : memref<2x5056x128xf32, #tpu.memory_space<hbm>> -> memref<1x632x128xf32, #tpu.memory_space<hbm>>
        %dma_wait3A_28 = tpu.memref_squeeze %dma_wait3A_27 : memref<1x632x128xf32, #tpu.memory_space<hbm>> -> memref<632x128xf32, #tpu.memory_space<hbm>>
        %dma_wait3A_29 = arith.constant 0 : i32
        %dma_wait3A_30 = tpu.memref_slice %arg10[%mul3A_20, %dma_wait3A_29] : memref<5056x128xf32, #tpu.memory_space<vmem_shared>> -> memref<632x128xf32, #tpu.memory_space<vmem_shared>>
        tpu.wait_dma2 semaphore(%run_scoped3A : memref<!tpu.dma_semaphore, #tpu.memory_space<semaphore_mem>>) src(%dma_wait3A_30 : memref<632x128xf32, #tpu.memory_space<vmem_shared>>) dst(%dma_wait3A_28 : memref<632x128xf32, #tpu.memory_space<hbm>>)
        tpu.yield
      }) : () -> ()
    } else {
    }
    return
  }
}

#map = affine_map<(d0, d1) -> (0, 0)>
#map1 = affine_map<(d0, d1) -> (0, 0, 0)>
module attributes {stable_mosaic.version = 14 : i64} {
  func.func @_segsum_body(%arg0: i32, %arg1: i32, %arg2: memref<10000x128xf32, #tpu.memory_space<hbm>>, %arg3: memref<2x20224x16xi32, #tpu.memory_space<hbm>>, %arg4: memref<2x20224x16xi32, #tpu.memory_space<hbm>>, %arg5: memref<632x128xf32, #tpu.memory_space<hbm>>, %arg6: memref<2x5056x128xf32, #tpu.memory_space<hbm>>, %arg7: memref<32x16xi32, #tpu.memory_space<vmem>>, %arg8: memref<2x16x128xf32, #tpu.memory_space<vmem>>, %arg9: memref<10016x128xf32, #tpu.memory_space<vmem_shared>>, %arg10: memref<5056x128xf32, #tpu.memory_space<vmem_shared>>, %arg11: memref<!tpu.dma_semaphore, #tpu.memory_space<semaphore_mem>>, %arg12: memref<!tpu.dma_semaphore, #tpu.memory_space<semaphore_mem>>) attributes {dimension_semantics = [#tpu.dimension_semantics<core_parallel>, #tpu.dimension_semantics<subcore_parallel>], iteration_bounds = array<i64: 2, 16>, scalar_prefetch = 0 : i64, scratch_operands = 6 : i64, tpu.core_type = #tpu.core_type<sc_vector_subcore>, window_params = [{transform_indices = #map}, {transform_indices = #map1}, {transform_indices = #map1}, {transform_indices = #map}, {transform_indices = #map1}]} {
    %mul3A = arith.constant 632 : i32
    %mul3A_0 = arith.muli %arg1, %mul3A : i32
    %min3A = arith.constant 9368 : i32
    %min3A_1 = arith.minsi %mul3A_0, %min3A : i32
    "tpu.region"() ({
      %run_scoped3A = tpu.sem_alloc : memref<!tpu.dma_semaphore, #tpu.memory_space<semaphore_mem>>
      %dma_start3A = arith.constant 0 : i32
      %dma_start3A_19 = tpu.memref_slice %arg9[%min3A_1, %dma_start3A] : memref<10016x128xf32, #tpu.memory_space<vmem_shared>> -> memref<632x128xf32, #tpu.memory_space<vmem_shared>>
      %dma_start3A_20 = arith.constant 0 : i32
      %dma_start3A_21 = tpu.memref_slice %arg2[%min3A_1, %dma_start3A_20] : memref<10000x128xf32, #tpu.memory_space<hbm>> -> memref<632x128xf32, #tpu.memory_space<hbm>>
      tpu.enqueue_dma source(%dma_start3A_21 : memref<632x128xf32, #tpu.memory_space<hbm>>) target(%dma_start3A_19 : memref<632x128xf32, #tpu.memory_space<vmem_shared>>) target_semaphore(%run_scoped3A : memref<!tpu.dma_semaphore, #tpu.memory_space<semaphore_mem>>)
      %dma_wait3A = arith.constant 0 : i32
      %dma_wait3A_22 = tpu.memref_slice %arg9[%min3A_1, %dma_wait3A] : memref<10016x128xf32, #tpu.memory_space<vmem_shared>> -> memref<632x128xf32, #tpu.memory_space<vmem_shared>>
      %dma_wait3A_23 = arith.constant 0 : i32
      %dma_wait3A_24 = tpu.memref_slice %arg2[%min3A_1, %dma_wait3A_23] : memref<10000x128xf32, #tpu.memory_space<hbm>> -> memref<632x128xf32, #tpu.memory_space<hbm>>
      tpu.wait_dma2 semaphore(%run_scoped3A : memref<!tpu.dma_semaphore, #tpu.memory_space<semaphore_mem>>) src(%dma_wait3A_24 : memref<632x128xf32, #tpu.memory_space<hbm>>) dst(%dma_wait3A_22 : memref<632x128xf32, #tpu.memory_space<vmem_shared>>)
      tpu.yield
    }) : () -> ()
    %eq3A = arith.constant 0 : i32
    %eq3A_2 = arith.cmpi eq, %arg1, %eq3A : i32
    %convert_element_type3A = arith.extui %eq3A_2 : i1 to i32
    %cond3A = arith.constant 0 : i32
    %cond3A_3 = arith.cmpi ne, %convert_element_type3A, %cond3A : i32
    scf.if %cond3A_3 {
      "tpu.region"() ({
        %run_scoped3A = tpu.sem_alloc : memref<!tpu.dma_semaphore, #tpu.memory_space<semaphore_mem>>
        %dma_start3A = arith.constant 10000 : i32
        %dma_start3A_19 = arith.constant 0 : i32
        %dma_start3A_20 = tpu.memref_slice %arg9[%dma_start3A, %dma_start3A_19] : memref<10016x128xf32, #tpu.memory_space<vmem_shared>> -> memref<16x128xf32, #tpu.memory_space<vmem_shared>>
        %dma_start3A_21 = arith.constant 0 : i32
        %dma_start3A_22 = arith.constant 0 : i32
        %dma_start3A_23 = tpu.memref_slice %arg5[%dma_start3A_21, %dma_start3A_22] : memref<632x128xf32, #tpu.memory_space<hbm>> -> memref<16x128xf32, #tpu.memory_space<hbm>>
        tpu.enqueue_dma source(%dma_start3A_23 : memref<16x128xf32, #tpu.memory_space<hbm>>) target(%dma_start3A_20 : memref<16x128xf32, #tpu.memory_space<vmem_shared>>) target_semaphore(%run_scoped3A : memref<!tpu.dma_semaphore, #tpu.memory_space<semaphore_mem>>)
        %dma_wait3A = arith.constant 10000 : i32
        %dma_wait3A_24 = arith.constant 0 : i32
        %dma_wait3A_25 = tpu.memref_slice %arg9[%dma_wait3A, %dma_wait3A_24] : memref<10016x128xf32, #tpu.memory_space<vmem_shared>> -> memref<16x128xf32, #tpu.memory_space<vmem_shared>>
        %dma_wait3A_26 = arith.constant 0 : i32
        %dma_wait3A_27 = arith.constant 0 : i32
        %dma_wait3A_28 = tpu.memref_slice %arg5[%dma_wait3A_26, %dma_wait3A_27] : memref<632x128xf32, #tpu.memory_space<hbm>> -> memref<16x128xf32, #tpu.memory_space<hbm>>
        tpu.wait_dma2 semaphore(%run_scoped3A : memref<!tpu.dma_semaphore, #tpu.memory_space<semaphore_mem>>) src(%dma_wait3A_28 : memref<16x128xf32, #tpu.memory_space<hbm>>) dst(%dma_wait3A_25 : memref<16x128xf32, #tpu.memory_space<vmem_shared>>)
        tpu.yield
      }) : () -> ()
    } else {
    }
    %lt3A = arith.constant 8 : i32
    %lt3A_4 = arith.cmpi slt, %arg1, %lt3A : i32
    %convert_element_type3A_5 = arith.extui %lt3A_4 : i1 to i32
    %cond3A_6 = arith.constant 0 : i32
    %cond3A_7 = arith.cmpi ne, %convert_element_type3A_5, %cond3A_6 : i32
    scf.if %cond3A_7 {
      %mul3A_19 = arith.constant 632 : i32
      %mul3A_20 = arith.muli %arg1, %mul3A_19 : i32
      "tpu.region"() ({
        %run_scoped3A = tpu.sem_alloc : memref<!tpu.dma_semaphore, #tpu.memory_space<semaphore_mem>>
        %dma_start3A = arith.constant 0 : i32
        %dma_start3A_21 = tpu.memref_slice %arg10[%mul3A_20, %dma_start3A] : memref<5056x128xf32, #tpu.memory_space<vmem_shared>> -> memref<632x128xf32, #tpu.memory_space<vmem_shared>>
        %dma_start3A_22 = arith.constant 0 : i32
        %dma_start3A_23 = arith.constant 0 : i32
        %dma_start3A_24 = tpu.memref_slice %arg5[%dma_start3A_22, %dma_start3A_23] : memref<632x128xf32, #tpu.memory_space<hbm>> -> memref<632x128xf32, #tpu.memory_space<hbm>>
        tpu.enqueue_dma source(%dma_start3A_24 : memref<632x128xf32, #tpu.memory_space<hbm>>) target(%dma_start3A_21 : memref<632x128xf32, #tpu.memory_space<vmem_shared>>) target_semaphore(%run_scoped3A : memref<!tpu.dma_semaphore, #tpu.memory_space<semaphore_mem>>)
        %dma_wait3A = arith.constant 0 : i32
        %dma_wait3A_25 = tpu.memref_slice %arg10[%mul3A_20, %dma_wait3A] : memref<5056x128xf32, #tpu.memory_space<vmem_shared>> -> memref<632x128xf32, #tpu.memory_space<vmem_shared>>
        %dma_wait3A_26 = arith.constant 0 : i32
        %dma_wait3A_27 = arith.constant 0 : i32
        %dma_wait3A_28 = tpu.memref_slice %arg5[%dma_wait3A_26, %dma_wait3A_27] : memref<632x128xf32, #tpu.memory_space<hbm>> -> memref<632x128xf32, #tpu.memory_space<hbm>>
        tpu.wait_dma2 semaphore(%run_scoped3A : memref<!tpu.dma_semaphore, #tpu.memory_space<semaphore_mem>>) src(%dma_wait3A_28 : memref<632x128xf32, #tpu.memory_space<hbm>>) dst(%dma_wait3A_25 : memref<632x128xf32, #tpu.memory_space<vmem_shared>>)
        tpu.yield
      }) : () -> ()
    } else {
    }
    %barrier3A = arith.constant 0 : index
    tpu.barrier barrier_id(%barrier3A)
    %scan3A = arith.constant 0 : i32
    %scan3A_8 = arith.constant 0 : i32
    %scan3A_9 = arith.constant 79 : i32
    %scan3A_10 = arith.addi %scan3A_8, %scan3A_9 : i32
    %scan3A_11 = arith.constant 1 : i32
    scf.for %scan3A_19 = %scan3A_8 to %scan3A_10 step %scan3A_11  : i32 {
      %mul3A_20 = arith.constant 1264 : i32
      %mul3A_21 = arith.muli %arg1, %mul3A_20 : i32
      %mul3A_22 = arith.constant 16 : i32
      %mul3A_23 = arith.muli %scan3A_19, %mul3A_22 : i32
      %add3A = arith.addi %mul3A_21, %mul3A_23 : i32
      "tpu.region"() ({
        %run_scoped3A = tpu.sem_alloc : memref<!tpu.dma_semaphore, #tpu.memory_space<semaphore_mem>>
        %dma_start3A_41 = arith.constant 0 : i32
        %dma_start3A_42 = arith.constant 0 : i32
        %dma_start3A_43 = tpu.memref_slice %arg7[%dma_start3A_41, %dma_start3A_42] : memref<32x16xi32, #tpu.memory_space<vmem>> -> memref<16x16xi32, #tpu.memory_space<vmem>>
        %dma_start3A_44 = arith.constant 0 : i32
        %dma_start3A_45 = tpu.memref_slice %arg3[%arg0, %add3A, %dma_start3A_44] : memref<2x20224x16xi32, #tpu.memory_space<hbm>> -> memref<1x16x16xi32, #tpu.memory_space<hbm>>
        %dma_start3A_46 = tpu.memref_squeeze %dma_start3A_45 : memref<1x16x16xi32, #tpu.memory_space<hbm>> -> memref<16x16xi32, #tpu.memory_space<hbm>>
        %dma_start3A_47 = arith.constant 0 : i32
        %dma_start3A_48 = arith.constant 0 : i32
        %dma_start3A_49 = tpu.memref_slice %arg7[%dma_start3A_47, %dma_start3A_48] : memref<32x16xi32, #tpu.memory_space<vmem>> -> memref<16x16xi32, #tpu.memory_space<vmem>>
        %dma_start3A_50 = arith.constant 0 : i32
        %dma_start3A_51 = tpu.memref_slice %arg3[%arg0, %add3A, %dma_start3A_50] : memref<2x20224x16xi32, #tpu.memory_space<hbm>> -> memref<1x16x16xi32, #tpu.memory_space<hbm>>
        %dma_start3A_52 = tpu.memref_squeeze %dma_start3A_51 : memref<1x16x16xi32, #tpu.memory_space<hbm>> -> memref<16x16xi32, #tpu.memory_space<hbm>>
        tpu.enqueue_dma source(%dma_start3A_52 : memref<16x16xi32, #tpu.memory_space<hbm>>) target(%dma_start3A_49 : memref<16x16xi32, #tpu.memory_space<vmem>>) target_semaphore(%run_scoped3A : memref<!tpu.dma_semaphore, #tpu.memory_space<semaphore_mem>>)
        %dma_wait3A = arith.constant 0 : i32
        %dma_wait3A_53 = arith.constant 0 : i32
        %dma_wait3A_54 = tpu.memref_slice %arg7[%dma_wait3A, %dma_wait3A_53] : memref<32x16xi32, #tpu.memory_space<vmem>> -> memref<16x16xi32, #tpu.memory_space<vmem>>
        %dma_wait3A_55 = arith.constant 0 : i32
        %dma_wait3A_56 = tpu.memref_slice %arg3[%arg0, %add3A, %dma_wait3A_55] : memref<2x20224x16xi32, #tpu.memory_space<hbm>> -> memref<1x16x16xi32, #tpu.memory_space<hbm>>
        %dma_wait3A_57 = tpu.memref_squeeze %dma_wait3A_56 : memref<1x16x16xi32, #tpu.memory_space<hbm>> -> memref<16x16xi32, #tpu.memory_space<hbm>>
        %dma_wait3A_58 = arith.constant 0 : i32
        %dma_wait3A_59 = arith.constant 0 : i32
        %dma_wait3A_60 = tpu.memref_slice %arg7[%dma_wait3A_58, %dma_wait3A_59] : memref<32x16xi32, #tpu.memory_space<vmem>> -> memref<16x16xi32, #tpu.memory_space<vmem>>
        %dma_wait3A_61 = arith.constant 0 : i32
        %dma_wait3A_62 = tpu.memref_slice %arg3[%arg0, %add3A, %dma_wait3A_61] : memref<2x20224x16xi32, #tpu.memory_space<hbm>> -> memref<1x16x16xi32, #tpu.memory_space<hbm>>
        %dma_wait3A_63 = tpu.memref_squeeze %dma_wait3A_62 : memref<1x16x16xi32, #tpu.memory_space<hbm>> -> memref<16x16xi32, #tpu.memory_space<hbm>>
        tpu.wait_dma2 semaphore(%run_scoped3A : memref<!tpu.dma_semaphore, #tpu.memory_space<semaphore_mem>>) src(%dma_wait3A_63 : memref<16x16xi32, #tpu.memory_space<hbm>>) dst(%dma_wait3A_60 : memref<16x16xi32, #tpu.memory_space<vmem>>)
        tpu.yield
      }) : () -> ()
      %dma_start3A = arith.constant 0 : i32
      %dma_start3A_24 = arith.constant 0 : i32
      %dma_start3A_25 = arith.constant 0 : i32
      %dma_start3A_26 = arith.constant 0 : i32
      %dma_start3A_27 = tpu.memref_slice %arg8[%dma_start3A_24, %dma_start3A_25, %dma_start3A_26] : memref<2x16x128xf32, #tpu.memory_space<vmem>> -> memref<1x16x128xf32, #tpu.memory_space<vmem>>
      %dma_start3A_28 = tpu.memref_squeeze %dma_start3A_27 : memref<1x16x128xf32, #tpu.memory_space<vmem>> -> memref<16x128xf32, #tpu.memory_space<vmem>>
      %dma_start3A_29 = arith.constant 0 : i32
      %dma_start3A_30 = tpu.memref_slice %arg7[%dma_start3A, %dma_start3A_29] : memref<32x16xi32, #tpu.memory_space<vmem>> -> memref<1x16xi32, #tpu.memory_space<vmem>>
      %dma_start3A_31 = tpu.memref_squeeze %dma_start3A_30 : memref<1x16xi32, #tpu.memory_space<vmem>> -> memref<16xi32, #tpu.memory_space<vmem>>
      %dma_start3A_32 = arith.constant 0 : i32
      %dma_start3A_33 = arith.constant 0 : i32
      %dma_start3A_34 = tpu.memref_slice %arg9[%dma_start3A_32, %dma_start3A_33] : memref<10016x128xf32, #tpu.memory_space<vmem_shared>> -> memref<10016x128xf32, #tpu.memory_space<vmem_shared>>
      tpu.enqueue_indirect_dma source(%dma_start3A_34 : memref<10016x128xf32, #tpu.memory_space<vmem_shared>>) target(%dma_start3A_28 : memref<16x128xf32, #tpu.memory_space<vmem>>) offsets(%dma_start3A_31 : memref<16xi32, #tpu.memory_space<vmem>>) semaphore(%arg11 : memref<!tpu.dma_semaphore, #tpu.memory_space<semaphore_mem>>)
      "tpu.region"() ({
        %run_scoped3A = tpu.sem_alloc : memref<!tpu.dma_semaphore, #tpu.memory_space<semaphore_mem>>
        %dma_start3A_41 = arith.constant 16 : i32
        %dma_start3A_42 = arith.constant 0 : i32
        %dma_start3A_43 = tpu.memref_slice %arg7[%dma_start3A_41, %dma_start3A_42] : memref<32x16xi32, #tpu.memory_space<vmem>> -> memref<16x16xi32, #tpu.memory_space<vmem>>
        %dma_start3A_44 = arith.constant 0 : i32
        %dma_start3A_45 = tpu.memref_slice %arg4[%arg0, %add3A, %dma_start3A_44] : memref<2x20224x16xi32, #tpu.memory_space<hbm>> -> memref<1x16x16xi32, #tpu.memory_space<hbm>>
        %dma_start3A_46 = tpu.memref_squeeze %dma_start3A_45 : memref<1x16x16xi32, #tpu.memory_space<hbm>> -> memref<16x16xi32, #tpu.memory_space<hbm>>
        %dma_start3A_47 = arith.constant 16 : i32
        %dma_start3A_48 = arith.constant 0 : i32
        %dma_start3A_49 = tpu.memref_slice %arg7[%dma_start3A_47, %dma_start3A_48] : memref<32x16xi32, #tpu.memory_space<vmem>> -> memref<16x16xi32, #tpu.memory_space<vmem>>
        %dma_start3A_50 = arith.constant 0 : i32
        %dma_start3A_51 = tpu.memref_slice %arg4[%arg0, %add3A, %dma_start3A_50] : memref<2x20224x16xi32, #tpu.memory_space<hbm>> -> memref<1x16x16xi32, #tpu.memory_space<hbm>>
        %dma_start3A_52 = tpu.memref_squeeze %dma_start3A_51 : memref<1x16x16xi32, #tpu.memory_space<hbm>> -> memref<16x16xi32, #tpu.memory_space<hbm>>
        tpu.enqueue_dma source(%dma_start3A_52 : memref<16x16xi32, #tpu.memory_space<hbm>>) target(%dma_start3A_49 : memref<16x16xi32, #tpu.memory_space<vmem>>) target_semaphore(%run_scoped3A : memref<!tpu.dma_semaphore, #tpu.memory_space<semaphore_mem>>)
        %dma_wait3A = arith.constant 16 : i32
        %dma_wait3A_53 = arith.constant 0 : i32
        %dma_wait3A_54 = tpu.memref_slice %arg7[%dma_wait3A, %dma_wait3A_53] : memref<32x16xi32, #tpu.memory_space<vmem>> -> memref<16x16xi32, #tpu.memory_space<vmem>>
        %dma_wait3A_55 = arith.constant 0 : i32
        %dma_wait3A_56 = tpu.memref_slice %arg4[%arg0, %add3A, %dma_wait3A_55] : memref<2x20224x16xi32, #tpu.memory_space<hbm>> -> memref<1x16x16xi32, #tpu.memory_space<hbm>>
        %dma_wait3A_57 = tpu.memref_squeeze %dma_wait3A_56 : memref<1x16x16xi32, #tpu.memory_space<hbm>> -> memref<16x16xi32, #tpu.memory_space<hbm>>
        %dma_wait3A_58 = arith.constant 16 : i32
        %dma_wait3A_59 = arith.constant 0 : i32
        %dma_wait3A_60 = tpu.memref_slice %arg7[%dma_wait3A_58, %dma_wait3A_59] : memref<32x16xi32, #tpu.memory_space<vmem>> -> memref<16x16xi32, #tpu.memory_space<vmem>>
        %dma_wait3A_61 = arith.constant 0 : i32
        %dma_wait3A_62 = tpu.memref_slice %arg4[%arg0, %add3A, %dma_wait3A_61] : memref<2x20224x16xi32, #tpu.memory_space<hbm>> -> memref<1x16x16xi32, #tpu.memory_space<hbm>>
        %dma_wait3A_63 = tpu.memref_squeeze %dma_wait3A_62 : memref<1x16x16xi32, #tpu.memory_space<hbm>> -> memref<16x16xi32, #tpu.memory_space<hbm>>
        tpu.wait_dma2 semaphore(%run_scoped3A : memref<!tpu.dma_semaphore, #tpu.memory_space<semaphore_mem>>) src(%dma_wait3A_63 : memref<16x16xi32, #tpu.memory_space<hbm>>) dst(%dma_wait3A_60 : memref<16x16xi32, #tpu.memory_space<vmem>>)
        tpu.yield
      }) : () -> ()
      %scan3A_35 = arith.constant 0 : i32
      %scan3A_36 = arith.constant 0 : i32
      %scan3A_37 = arith.constant 8 : i32
      %scan3A_38 = arith.addi %scan3A_36, %scan3A_37 : i32
      %scan3A_39 = arith.constant 1 : i32
      scf.for %scan3A_41 = %scan3A_36 to %scan3A_38 step %scan3A_39  : i32 {
        %mul3A_42 = arith.constant 2 : i32
        %mul3A_43 = arith.muli %mul3A_42, %scan3A_41 : i32
        %add3A_44 = arith.constant 1 : i32
        %add3A_45 = arith.addi %mul3A_43, %add3A_44 : i32
        %dma_start3A_46 = arith.constant 1 : i32
        %dma_start3A_47 = arith.constant 0 : i32
        %dma_start3A_48 = arith.constant 0 : i32
        %dma_start3A_49 = tpu.memref_slice %arg8[%dma_start3A_46, %dma_start3A_47, %dma_start3A_48] : memref<2x16x128xf32, #tpu.memory_space<vmem>> -> memref<1x16x128xf32, #tpu.memory_space<vmem>>
        %dma_start3A_50 = tpu.memref_squeeze %dma_start3A_49 : memref<1x16x128xf32, #tpu.memory_space<vmem>> -> memref<16x128xf32, #tpu.memory_space<vmem>>
        %dma_start3A_51 = arith.constant 0 : i32
        %dma_start3A_52 = tpu.memref_slice %arg7[%add3A_45, %dma_start3A_51] : memref<32x16xi32, #tpu.memory_space<vmem>> -> memref<1x16xi32, #tpu.memory_space<vmem>>
        %dma_start3A_53 = tpu.memref_squeeze %dma_start3A_52 : memref<1x16xi32, #tpu.memory_space<vmem>> -> memref<16xi32, #tpu.memory_space<vmem>>
        %dma_start3A_54 = arith.constant 0 : i32
        %dma_start3A_55 = arith.constant 0 : i32
        %dma_start3A_56 = tpu.memref_slice %arg9[%dma_start3A_54, %dma_start3A_55] : memref<10016x128xf32, #tpu.memory_space<vmem_shared>> -> memref<10016x128xf32, #tpu.memory_space<vmem_shared>>
        tpu.enqueue_indirect_dma source(%dma_start3A_56 : memref<10016x128xf32, #tpu.memory_space<vmem_shared>>) target(%dma_start3A_50 : memref<16x128xf32, #tpu.memory_space<vmem>>) offsets(%dma_start3A_53 : memref<16xi32, #tpu.memory_space<vmem>>) semaphore(%arg12 : memref<!tpu.dma_semaphore, #tpu.memory_space<semaphore_mem>>)
        %dma_wait3A = arith.constant 0 : i32
        %dma_wait3A_57 = arith.constant 0 : i32
        %dma_wait3A_58 = arith.constant 0 : i32
        %dma_wait3A_59 = tpu.memref_slice %arg8[%dma_wait3A, %dma_wait3A_57, %dma_wait3A_58] : memref<2x16x128xf32, #tpu.memory_space<vmem>> -> memref<1x16x128xf32, #tpu.memory_space<vmem>>
        %dma_wait3A_60 = tpu.memref_squeeze %dma_wait3A_59 : memref<1x16x128xf32, #tpu.memory_space<vmem>> -> memref<16x128xf32, #tpu.memory_space<vmem>>
        %dma_wait3A_61 = arith.constant 0 : i32
        %dma_wait3A_62 = arith.constant 0 : i32
        %dma_wait3A_63 = tpu.memref_slice %arg2[%dma_wait3A_61, %dma_wait3A_62] : memref<10000x128xf32, #tpu.memory_space<hbm>> -> memref<16x128xf32, #tpu.memory_space<hbm>>
        %dma_wait3A_64 = arith.constant 0 : i32
        %dma_wait3A_65 = arith.constant 0 : i32
        %dma_wait3A_66 = tpu.memref_slice %arg8[%dma_wait3A, %dma_wait3A_64, %dma_wait3A_65] : memref<2x16x128xf32, #tpu.memory_space<vmem>> -> memref<1x16x128xf32, #tpu.memory_space<vmem>>
        %dma_wait3A_67 = tpu.memref_squeeze %dma_wait3A_66 : memref<1x16x128xf32, #tpu.memory_space<vmem>> -> memref<16x128xf32, #tpu.memory_space<vmem>>
        %dma_wait3A_68 = arith.constant 0 : i32
        %dma_wait3A_69 = arith.constant 0 : i32
        %dma_wait3A_70 = tpu.memref_slice %arg2[%dma_wait3A_68, %dma_wait3A_69] : memref<10000x128xf32, #tpu.memory_space<hbm>> -> memref<16x128xf32, #tpu.memory_space<hbm>>
        tpu.wait_dma2 semaphore(%arg11 : memref<!tpu.dma_semaphore, #tpu.memory_space<semaphore_mem>>) src(%dma_wait3A_70 : memref<16x128xf32, #tpu.memory_space<hbm>>) dst(%dma_wait3A_67 : memref<16x128xf32, #tpu.memory_space<vmem>>)
        %add3A_71 = arith.constant 16 : i32
        %add3A_72 = arith.addi %add3A_71, %mul3A_43 : i32
        %run_scoped3A = arith.constant 0 : i32
        "tpu.region"() ({
          %run_scoped3A_100 = tpu.sem_alloc : memref<!tpu.dma_semaphore, #tpu.memory_space<semaphore_mem>>
          %dma_start3A_101 = arith.constant 0 : i32
          %dma_start3A_102 = arith.constant 0 : i32
          %dma_start3A_103 = tpu.memref_slice %arg8[%run_scoped3A, %dma_start3A_101, %dma_start3A_102] : memref<2x16x128xf32, #tpu.memory_space<vmem>> -> memref<1x16x128xf32, #tpu.memory_space<vmem>>
          %dma_start3A_104 = tpu.memref_squeeze %dma_start3A_103 : memref<1x16x128xf32, #tpu.memory_space<vmem>> -> memref<16x128xf32, #tpu.memory_space<vmem>>
          %dma_start3A_105 = arith.constant 0 : i32
          %dma_start3A_106 = tpu.memref_slice %arg7[%add3A_72, %dma_start3A_105] : memref<32x16xi32, #tpu.memory_space<vmem>> -> memref<1x16xi32, #tpu.memory_space<vmem>>
          %dma_start3A_107 = tpu.memref_squeeze %dma_start3A_106 : memref<1x16xi32, #tpu.memory_space<vmem>> -> memref<16xi32, #tpu.memory_space<vmem>>
          %dma_start3A_108 = arith.constant 0 : i32
          %dma_start3A_109 = arith.constant 0 : i32
          %dma_start3A_110 = tpu.memref_slice %arg10[%dma_start3A_108, %dma_start3A_109] : memref<5056x128xf32, #tpu.memory_space<vmem_shared>> -> memref<5056x128xf32, #tpu.memory_space<vmem_shared>>
          tpu.enqueue_indirect_dma source(%dma_start3A_104 : memref<16x128xf32, #tpu.memory_space<vmem>>) target(%dma_start3A_110 : memref<5056x128xf32, #tpu.memory_space<vmem_shared>>) offsets(%dma_start3A_107 : memref<16xi32, #tpu.memory_space<vmem>>) semaphore(%run_scoped3A_100 : memref<!tpu.dma_semaphore, #tpu.memory_space<semaphore_mem>>) {add = true}
          %dma_wait3A_111 = arith.constant 0 : i32
          %dma_wait3A_112 = arith.constant 0 : i32
          %dma_wait3A_113 = tpu.memref_slice %arg8[%run_scoped3A, %dma_wait3A_111, %dma_wait3A_112] : memref<2x16x128xf32, #tpu.memory_space<vmem>> -> memref<1x16x128xf32, #tpu.memory_space<vmem>>
          %dma_wait3A_114 = tpu.memref_squeeze %dma_wait3A_113 : memref<1x16x128xf32, #tpu.memory_space<vmem>> -> memref<16x128xf32, #tpu.memory_space<vmem>>
          %dma_wait3A_115 = arith.constant 0 : i32
          %dma_wait3A_116 = tpu.memref_slice %arg7[%add3A_72, %dma_wait3A_115] : memref<32x16xi32, #tpu.memory_space<vmem>> -> memref<1x16xi32, #tpu.memory_space<vmem>>
          %dma_wait3A_117 = tpu.memref_squeeze %dma_wait3A_116 : memref<1x16xi32, #tpu.memory_space<vmem>> -> memref<16xi32, #tpu.memory_space<vmem>>
          %dma_wait3A_118 = arith.constant 0 : i32
          %dma_wait3A_119 = arith.constant 0 : i32
          %dma_wait3A_120 = tpu.memref_slice %arg10[%dma_wait3A_118, %dma_wait3A_119] : memref<5056x128xf32, #tpu.memory_space<vmem_shared>> -> memref<5056x128xf32, #tpu.memory_space<vmem_shared>>
          tpu.wait_indirect_dma semaphore(%run_scoped3A_100 : memref<!tpu.dma_semaphore, #tpu.memory_space<semaphore_mem>>) src(%dma_wait3A_114 : memref<16x128xf32, #tpu.memory_space<vmem>>) dst(%dma_wait3A_120 : memref<5056x128xf32, #tpu.memory_space<vmem_shared>>)
          tpu.yield
        }) : () -> ()
        %add3A_73 = arith.constant 2 : i32
        %add3A_74 = arith.addi %mul3A_43, %add3A_73 : i32
        %lt3A_75 = arith.constant 16 : i32
        %lt3A_76 = arith.cmpi slt, %add3A_74, %lt3A_75 : i32
        %convert_element_type3A_77 = arith.extui %lt3A_76 : i1 to i32
        %cond3A_78 = arith.constant 0 : i32
        %cond3A_79 = arith.cmpi ne, %convert_element_type3A_77, %cond3A_78 : i32
        scf.if %cond3A_79 {
          %add3A_100 = arith.constant 2 : i32
          %add3A_101 = arith.addi %mul3A_43, %add3A_100 : i32
          %dma_start3A_102 = arith.constant 0 : i32
          %dma_start3A_103 = arith.constant 0 : i32
          %dma_start3A_104 = arith.constant 0 : i32
          %dma_start3A_105 = tpu.memref_slice %arg8[%dma_start3A_102, %dma_start3A_103, %dma_start3A_104] : memref<2x16x128xf32, #tpu.memory_space<vmem>> -> memref<1x16x128xf32, #tpu.memory_space<vmem>>
          %dma_start3A_106 = tpu.memref_squeeze %dma_start3A_105 : memref<1x16x128xf32, #tpu.memory_space<vmem>> -> memref<16x128xf32, #tpu.memory_space<vmem>>
          %dma_start3A_107 = arith.constant 0 : i32
          %dma_start3A_108 = tpu.memref_slice %arg7[%add3A_101, %dma_start3A_107] : memref<32x16xi32, #tpu.memory_space<vmem>> -> memref<1x16xi32, #tpu.memory_space<vmem>>
          %dma_start3A_109 = tpu.memref_squeeze %dma_start3A_108 : memref<1x16xi32, #tpu.memory_space<vmem>> -> memref<16xi32, #tpu.memory_space<vmem>>
          %dma_start3A_110 = arith.constant 0 : i32
          %dma_start3A_111 = arith.constant 0 : i32
          %dma_start3A_112 = tpu.memref_slice %arg9[%dma_start3A_110, %dma_start3A_111] : memref<10016x128xf32, #tpu.memory_space<vmem_shared>> -> memref<10016x128xf32, #tpu.memory_space<vmem_shared>>
          tpu.enqueue_indirect_dma source(%dma_start3A_112 : memref<10016x128xf32, #tpu.memory_space<vmem_shared>>) target(%dma_start3A_106 : memref<16x128xf32, #tpu.memory_space<vmem>>) offsets(%dma_start3A_109 : memref<16xi32, #tpu.memory_space<vmem>>) semaphore(%arg11 : memref<!tpu.dma_semaphore, #tpu.memory_space<semaphore_mem>>)
        } else {
        }
        %dma_wait3A_80 = arith.constant 1 : i32
        %dma_wait3A_81 = arith.constant 0 : i32
        %dma_wait3A_82 = arith.constant 0 : i32
        %dma_wait3A_83 = tpu.memref_slice %arg8[%dma_wait3A_80, %dma_wait3A_81, %dma_wait3A_82] : memref<2x16x128xf32, #tpu.memory_space<vmem>> -> memref<1x16x128xf32, #tpu.memory_space<vmem>>
        %dma_wait3A_84 = tpu.memref_squeeze %dma_wait3A_83 : memref<1x16x128xf32, #tpu.memory_space<vmem>> -> memref<16x128xf32, #tpu.memory_space<vmem>>
        %dma_wait3A_85 = arith.constant 0 : i32
        %dma_wait3A_86 = arith.constant 0 : i32
        %dma_wait3A_87 = tpu.memref_slice %arg2[%dma_wait3A_85, %dma_wait3A_86] : memref<10000x128xf32, #tpu.memory_space<hbm>> -> memref<16x128xf32, #tpu.memory_space<hbm>>
        %dma_wait3A_88 = arith.constant 0 : i32
        %dma_wait3A_89 = arith.constant 0 : i32
        %dma_wait3A_90 = tpu.memref_slice %arg8[%dma_wait3A_80, %dma_wait3A_88, %dma_wait3A_89] : memref<2x16x128xf32, #tpu.memory_space<vmem>> -> memref<1x16x128xf32, #tpu.memory_space<vmem>>
        %dma_wait3A_91 = tpu.memref_squeeze %dma_wait3A_90 : memref<1x16x128xf32, #tpu.memory_space<vmem>> -> memref<16x128xf32, #tpu.memory_space<vmem>>
        %dma_wait3A_92 = arith.constant 0 : i32
        %dma_wait3A_93 = arith.constant 0 : i32
        %dma_wait3A_94 = tpu.memref_slice %arg2[%dma_wait3A_92, %dma_wait3A_93] : memref<10000x128xf32, #tpu.memory_space<hbm>> -> memref<16x128xf32, #tpu.memory_space<hbm>>
        tpu.wait_dma2 semaphore(%arg12 : memref<!tpu.dma_semaphore, #tpu.memory_space<semaphore_mem>>) src(%dma_wait3A_94 : memref<16x128xf32, #tpu.memory_space<hbm>>) dst(%dma_wait3A_91 : memref<16x128xf32, #tpu.memory_space<vmem>>)
        %add3A_95 = arith.constant 16 : i32
        %add3A_96 = arith.addi %add3A_95, %mul3A_43 : i32
        %add3A_97 = arith.constant 1 : i32
        %add3A_98 = arith.addi %add3A_96, %add3A_97 : i32
        %run_scoped3A_99 = arith.constant 1 : i32
        "tpu.region"() ({
          %run_scoped3A_100 = tpu.sem_alloc : memref<!tpu.dma_semaphore, #tpu.memory_space<semaphore_mem>>
          %dma_start3A_101 = arith.constant 0 : i32
          %dma_start3A_102 = arith.constant 0 : i32
          %dma_start3A_103 = tpu.memref_slice %arg8[%run_scoped3A_99, %dma_start3A_101, %dma_start3A_102] : memref<2x16x128xf32, #tpu.memory_space<vmem>> -> memref<1x16x128xf32, #tpu.memory_space<vmem>>
          %dma_start3A_104 = tpu.memref_squeeze %dma_start3A_103 : memref<1x16x128xf32, #tpu.memory_space<vmem>> -> memref<16x128xf32, #tpu.memory_space<vmem>>
          %dma_start3A_105 = arith.constant 0 : i32
          %dma_start3A_106 = tpu.memref_slice %arg7[%add3A_98, %dma_start3A_105] : memref<32x16xi32, #tpu.memory_space<vmem>> -> memref<1x16xi32, #tpu.memory_space<vmem>>
          %dma_start3A_107 = tpu.memref_squeeze %dma_start3A_106 : memref<1x16xi32, #tpu.memory_space<vmem>> -> memref<16xi32, #tpu.memory_space<vmem>>
          %dma_start3A_108 = arith.constant 0 : i32
          %dma_start3A_109 = arith.constant 0 : i32
          %dma_start3A_110 = tpu.memref_slice %arg10[%dma_start3A_108, %dma_start3A_109] : memref<5056x128xf32, #tpu.memory_space<vmem_shared>> -> memref<5056x128xf32, #tpu.memory_space<vmem_shared>>
          tpu.enqueue_indirect_dma source(%dma_start3A_104 : memref<16x128xf32, #tpu.memory_space<vmem>>) target(%dma_start3A_110 : memref<5056x128xf32, #tpu.memory_space<vmem_shared>>) offsets(%dma_start3A_107 : memref<16xi32, #tpu.memory_space<vmem>>) semaphore(%run_scoped3A_100 : memref<!tpu.dma_semaphore, #tpu.memory_space<semaphore_mem>>) {add = true}
          %dma_wait3A_111 = arith.constant 0 : i32
          %dma_wait3A_112 = arith.constant 0 : i32
          %dma_wait3A_113 = tpu.memref_slice %arg8[%run_scoped3A_99, %dma_wait3A_111, %dma_wait3A_112] : memref<2x16x128xf32, #tpu.memory_space<vmem>> -> memref<1x16x128xf32, #tpu.memory_space<vmem>>
          %dma_wait3A_114 = tpu.memref_squeeze %dma_wait3A_113 : memref<1x16x128xf32, #tpu.memory_space<vmem>> -> memref<16x128xf32, #tpu.memory_space<vmem>>
          %dma_wait3A_115 = arith.constant 0 : i32
          %dma_wait3A_116 = tpu.memref_slice %arg7[%add3A_98, %dma_wait3A_115] : memref<32x16xi32, #tpu.memory_space<vmem>> -> memref<1x16xi32, #tpu.memory_space<vmem>>
          %dma_wait3A_117 = tpu.memref_squeeze %dma_wait3A_116 : memref<1x16xi32, #tpu.memory_space<vmem>> -> memref<16xi32, #tpu.memory_space<vmem>>
          %dma_wait3A_118 = arith.constant 0 : i32
          %dma_wait3A_119 = arith.constant 0 : i32
          %dma_wait3A_120 = tpu.memref_slice %arg10[%dma_wait3A_118, %dma_wait3A_119] : memref<5056x128xf32, #tpu.memory_space<vmem_shared>> -> memref<5056x128xf32, #tpu.memory_space<vmem_shared>>
          tpu.wait_indirect_dma semaphore(%run_scoped3A_100 : memref<!tpu.dma_semaphore, #tpu.memory_space<semaphore_mem>>) src(%dma_wait3A_114 : memref<16x128xf32, #tpu.memory_space<vmem>>) dst(%dma_wait3A_120 : memref<5056x128xf32, #tpu.memory_space<vmem_shared>>)
          tpu.yield
        }) : () -> ()
      }
      %scan3A_40 = arith.constant 8 : i32
    }
    %scan3A_12 = arith.constant 79 : i32
    %barrier3A_13 = arith.constant 0 : index
    tpu.barrier barrier_id(%barrier3A_13)
    %lt3A_14 = arith.constant 8 : i32
    %lt3A_15 = arith.cmpi slt, %arg1, %lt3A_14 : i32
    %convert_element_type3A_16 = arith.extui %lt3A_15 : i1 to i32
    %cond3A_17 = arith.constant 0 : i32
    %cond3A_18 = arith.cmpi ne, %convert_element_type3A_16, %cond3A_17 : i32
    scf.if %cond3A_18 {
      %mul3A_19 = arith.constant 632 : i32
      %mul3A_20 = arith.muli %arg1, %mul3A_19 : i32
      %mul3A_21 = arith.constant 632 : i32
      %mul3A_22 = arith.muli %arg1, %mul3A_21 : i32
      "tpu.region"() ({
        %run_scoped3A = tpu.sem_alloc : memref<!tpu.dma_semaphore, #tpu.memory_space<semaphore_mem>>
        %dma_start3A = arith.constant 0 : i32
        %dma_start3A_23 = tpu.memref_slice %arg6[%arg0, %mul3A_22, %dma_start3A] : memref<2x5056x128xf32, #tpu.memory_space<hbm>> -> memref<1x632x128xf32, #tpu.memory_space<hbm>>
        %dma_start3A_24 = tpu.memref_squeeze %dma_start3A_23 : memref<1x632x128xf32, #tpu.memory_space<hbm>> -> memref<632x128xf32, #tpu.memory_space<hbm>>
        %dma_start3A_25 = arith.constant 0 : i32
        %dma_start3A_26 = tpu.memref_slice %arg10[%mul3A_20, %dma_start3A_25] : memref<5056x128xf32, #tpu.memory_space<vmem_shared>> -> memref<632x128xf32, #tpu.memory_space<vmem_shared>>
        tpu.enqueue_dma source(%dma_start3A_26 : memref<632x128xf32, #tpu.memory_space<vmem_shared>>) target(%dma_start3A_24 : memref<632x128xf32, #tpu.memory_space<hbm>>) target_semaphore(%run_scoped3A : memref<!tpu.dma_semaphore, #tpu.memory_space<semaphore_mem>>)
        %dma_wait3A = arith.constant 0 : i32
        %dma_wait3A_27 = tpu.memref_slice %arg6[%arg0, %mul3A_22, %dma_wait3A] : memref<2x5056x128xf32, #tpu.memory_space<hbm>> -> memref<1x632x128xf32, #tpu.memory_space<hbm>>
        %dma_wait3A_28 = tpu.memref_squeeze %dma_wait3A_27 : memref<1x632x128xf32, #tpu.memory_space<hbm>> -> memref<632x128xf32, #tpu.memory_space<hbm>>
        %dma_wait3A_29 = arith.constant 0 : i32
        %dma_wait3A_30 = tpu.memref_slice %arg10[%mul3A_20, %dma_wait3A_29] : memref<5056x128xf32, #tpu.memory_space<vmem_shared>> -> memref<632x128xf32, #tpu.memory_space<vmem_shared>>
        tpu.wait_dma2 semaphore(%run_scoped3A : memref<!tpu.dma_semaphore, #tpu.memory_space<semaphore_mem>>) src(%dma_wait3A_30 : memref<632x128xf32, #tpu.memory_space<vmem_shared>>) dst(%dma_wait3A_28 : memref<632x128xf32, #tpu.memory_space<hbm>>)
        tpu.yield
      }) : () -> ()
    } else {
    }
    return
  }
}

module attributes {stable_mosaic.version = 14 : i64} {
  func.func @_layer_body(%arg0: i32, %arg1: memref<632x128xf32, #tpu.memory_space<vmem>>, %arg2: memref<632x128xf32, #tpu.memory_space<vmem>>, %arg3: memref<128x128xf32, #tpu.memory_space<vmem>>, %arg4: memref<128x128xf32, #tpu.memory_space<vmem>>, %arg5: memref<1x128xf32, #tpu.memory_space<vmem>>, %arg6: memref<632x128xf32, #tpu.memory_space<vmem>>) attributes {dimension_semantics = [#tpu.dimension_semantics<arbitrary>], iteration_bounds = array<i64: 16>, scalar_prefetch = 0 : i64, scratch_operands = 0 : i64, tpu.core_type = #tpu.core_type<tc>, window_params = [{transform_indices = @transform_0, window_bounds = array<i64: 632, 128>}, {transform_indices = @transform_1, window_bounds = array<i64: 632, 128>}, {pipeline_mode = #tpu.pipeline_mode<synchronous>, transform_indices = @transform_2, window_bounds = array<i64: 128, 128>}, {pipeline_mode = #tpu.pipeline_mode<synchronous>, transform_indices = @transform_3, window_bounds = array<i64: 128, 128>}, {pipeline_mode = #tpu.pipeline_mode<synchronous>, transform_indices = @transform_4, window_bounds = array<i64: 1, 128>}, {transform_indices = @transform_5, window_bounds = array<i64: 632, 128>}]} {
    %get3A = arith.constant 0 : index
    %get3A_0 = arith.constant 0 : index
    %get3A_1 = vector.load %arg1[%get3A, %get3A_0] : memref<632x128xf32, #tpu.memory_space<vmem>>, vector<632x128xf32>
    %get3A_2 = arith.constant 0 : index
    %get3A_3 = arith.constant 0 : index
    %get3A_4 = vector.load %arg3[%get3A_2, %get3A_3] : memref<128x128xf32, #tpu.memory_space<vmem>>, vector<128x128xf32>
    %dot_general3A = arith.constant dense<0.000000e+00> : vector<632x128xf32>
    %dot_general3A_5 = tpu.matmul %get3A_1, %get3A_4, %dot_general3A {dimension_numbers = #tpu.dot_dimension_numbers<[1], [0], [0], [1], [0, 0, 1, 1], [], []>, transpose_lhs_hint = false} : vector<632x128xf32>, vector<128x128xf32>, vector<632x128xf32> -> vector<632x128xf32>
    %get3A_6 = arith.constant 0 : index
    %get3A_7 = arith.constant 0 : index
    %get3A_8 = vector.load %arg2[%get3A_6, %get3A_7] : memref<632x128xf32, #tpu.memory_space<vmem>>, vector<632x128xf32>
    %get3A_9 = arith.constant 0 : index
    %get3A_10 = arith.constant 0 : index
    %get3A_11 = vector.load %arg4[%get3A_9, %get3A_10] : memref<128x128xf32, #tpu.memory_space<vmem>>, vector<128x128xf32>
    %dot_general3A_12 = arith.constant dense<0.000000e+00> : vector<632x128xf32>
    %dot_general3A_13 = tpu.matmul %get3A_8, %get3A_11, %dot_general3A_12 {dimension_numbers = #tpu.dot_dimension_numbers<[1], [0], [0], [1], [0, 0, 1, 1], [], []>, transpose_lhs_hint = false} : vector<632x128xf32>, vector<128x128xf32>, vector<632x128xf32> -> vector<632x128xf32>
    %add3A = arith.addf %dot_general3A_5, %dot_general3A_13 : vector<632x128xf32>
    %get3A_14 = arith.constant 0 : index
    %get3A_15 = arith.constant 0 : index
    %get3A_16 = vector.load %arg5[%get3A_14, %get3A_15] : memref<1x128xf32, #tpu.memory_space<vmem>>, vector<1x128xf32>
    %add3A_17 = vector.broadcast %get3A_16 : vector<1x128xf32> to vector<632x128xf32>
    %add3A_18 = arith.addf %add3A, %add3A_17 : vector<632x128xf32>
    %max3A = arith.constant 0.000000e+00 : f32
    %max3A_19 = vector.broadcast %max3A : f32 to vector<632x128xf32>
    %max3A_20 = arith.maximumf %add3A_18, %max3A_19 : vector<632x128xf32>
    %swap3A = arith.constant 0 : index
    %swap3A_21 = arith.constant 0 : index
    %swap3A_22 = vector.load %arg6[%swap3A, %swap3A_21] : memref<632x128xf32, #tpu.memory_space<vmem>>, vector<632x128xf32>
    tpu.vector_store %arg6[%swap3A, %swap3A_21], %max3A_20 {strides = array<i32>} : memref<632x128xf32, #tpu.memory_space<vmem>>, vector<632x128xf32>,
    return
  }
  func.func @transform_0(%arg0: i32) -> (i32, i32) {
    %c0_i32 = arith.constant 0 : i32
    %c0_i32_0 = arith.constant 0 : i32
    return %arg0, %c0_i32 : i32, i32
  }
  func.func @transform_1(%arg0: i32) -> (i32, i32) {
    %c0_i32 = arith.constant 0 : i32
    %c0_i32_0 = arith.constant 0 : i32
    return %arg0, %c0_i32 : i32, i32
  }
  func.func @transform_2(%arg0: i32) -> (i32, i32) {
    %c0_i32 = arith.constant 0 : i32
    %c0_i32_0 = arith.constant 0 : i32
    %c0_i32_1 = arith.constant 0 : i32
    return %c0_i32, %c0_i32_0 : i32, i32
  }
  func.func @transform_3(%arg0: i32) -> (i32, i32) {
    %c0_i32 = arith.constant 0 : i32
    %c0_i32_0 = arith.constant 0 : i32
    %c0_i32_1 = arith.constant 0 : i32
    return %c0_i32, %c0_i32_0 : i32, i32
  }
  func.func @transform_4(%arg0: i32) -> (i32, i32) {
    %c0_i32 = arith.constant 0 : i32
    %c0_i32_0 = arith.constant 0 : i32
    %c0_i32_1 = arith.constant 0 : i32
    return %c0_i32, %c0_i32_0 : i32, i32
  }
  func.func @transform_5(%arg0: i32) -> (i32, i32) {
    %c0_i32 = arith.constant 0 : i32
    %c0_i32_0 = arith.constant 0 : i32
    return %arg0, %c0_i32 : i32, i32
  }
}

module attributes {stable_mosaic.version = 14 : i64} {
  func.func @_layer_body(%arg0: i32, %arg1: memref<632x128xf32, #tpu.memory_space<vmem>>, %arg2: memref<632x128xf32, #tpu.memory_space<vmem>>, %arg3: memref<128x128xf32, #tpu.memory_space<vmem>>, %arg4: memref<128x128xf32, #tpu.memory_space<vmem>>, %arg5: memref<1x128xf32, #tpu.memory_space<vmem>>, %arg6: memref<632x128xf32, #tpu.memory_space<vmem>>) attributes {dimension_semantics = [#tpu.dimension_semantics<arbitrary>], iteration_bounds = array<i64: 16>, scalar_prefetch = 0 : i64, scratch_operands = 0 : i64, tpu.core_type = #tpu.core_type<tc>, window_params = [{transform_indices = @transform_0, window_bounds = array<i64: 632, 128>}, {transform_indices = @transform_1, window_bounds = array<i64: 632, 128>}, {pipeline_mode = #tpu.pipeline_mode<synchronous>, transform_indices = @transform_2, window_bounds = array<i64: 128, 128>}, {pipeline_mode = #tpu.pipeline_mode<synchronous>, transform_indices = @transform_3, window_bounds = array<i64: 128, 128>}, {pipeline_mode = #tpu.pipeline_mode<synchronous>, transform_indices = @transform_4, window_bounds = array<i64: 1, 128>}, {transform_indices = @transform_5, window_bounds = array<i64: 632, 128>}]} {
    %get3A = arith.constant 0 : index
    %get3A_0 = arith.constant 0 : index
    %get3A_1 = vector.load %arg1[%get3A, %get3A_0] : memref<632x128xf32, #tpu.memory_space<vmem>>, vector<632x128xf32>
    %get3A_2 = arith.constant 0 : index
    %get3A_3 = arith.constant 0 : index
    %get3A_4 = vector.load %arg3[%get3A_2, %get3A_3] : memref<128x128xf32, #tpu.memory_space<vmem>>, vector<128x128xf32>
    %dot_general3A = arith.constant dense<0.000000e+00> : vector<632x128xf32>
    %dot_general3A_5 = tpu.matmul %get3A_1, %get3A_4, %dot_general3A {dimension_numbers = #tpu.dot_dimension_numbers<[1], [0], [0], [1], [0, 0, 1, 1], [], []>, transpose_lhs_hint = false} : vector<632x128xf32>, vector<128x128xf32>, vector<632x128xf32> -> vector<632x128xf32>
    %get3A_6 = arith.constant 0 : index
    %get3A_7 = arith.constant 0 : index
    %get3A_8 = vector.load %arg2[%get3A_6, %get3A_7] : memref<632x128xf32, #tpu.memory_space<vmem>>, vector<632x128xf32>
    %get3A_9 = arith.constant 0 : index
    %get3A_10 = arith.constant 0 : index
    %get3A_11 = vector.load %arg4[%get3A_9, %get3A_10] : memref<128x128xf32, #tpu.memory_space<vmem>>, vector<128x128xf32>
    %dot_general3A_12 = arith.constant dense<0.000000e+00> : vector<632x128xf32>
    %dot_general3A_13 = tpu.matmul %get3A_8, %get3A_11, %dot_general3A_12 {dimension_numbers = #tpu.dot_dimension_numbers<[1], [0], [0], [1], [0, 0, 1, 1], [], []>, transpose_lhs_hint = false} : vector<632x128xf32>, vector<128x128xf32>, vector<632x128xf32> -> vector<632x128xf32>
    %add3A = arith.addf %dot_general3A_5, %dot_general3A_13 : vector<632x128xf32>
    %get3A_14 = arith.constant 0 : index
    %get3A_15 = arith.constant 0 : index
    %get3A_16 = vector.load %arg5[%get3A_14, %get3A_15] : memref<1x128xf32, #tpu.memory_space<vmem>>, vector<1x128xf32>
    %add3A_17 = vector.broadcast %get3A_16 : vector<1x128xf32> to vector<632x128xf32>
    %add3A_18 = arith.addf %add3A, %add3A_17 : vector<632x128xf32>
    %swap3A = arith.constant 0 : index
    %swap3A_19 = arith.constant 0 : index
    %swap3A_20 = vector.load %arg6[%swap3A, %swap3A_19] : memref<632x128xf32, #tpu.memory_space<vmem>>, vector<632x128xf32>
    tpu.vector_store %arg6[%swap3A, %swap3A_19], %add3A_18 {strides = array<i32>} : memref<632x128xf32, #tpu.memory_space<vmem>>, vector<632x128xf32>,
    return
  }
  func.func @transform_0(%arg0: i32) -> (i32, i32) {
    %c0_i32 = arith.constant 0 : i32
    %c0_i32_0 = arith.constant 0 : i32
    return %arg0, %c0_i32 : i32, i32
  }
  func.func @transform_1(%arg0: i32) -> (i32, i32) {
    %c0_i32 = arith.constant 0 : i32
    %c0_i32_0 = arith.constant 0 : i32
    return %arg0, %c0_i32 : i32, i32
  }
  func.func @transform_2(%arg0: i32) -> (i32, i32) {
    %c0_i32 = arith.constant 0 : i32
    %c0_i32_0 = arith.constant 0 : i32
    %c0_i32_1 = arith.constant 0 : i32
    return %c0_i32, %c0_i32_0 : i32, i32
  }
  func.func @transform_3(%arg0: i32) -> (i32, i32) {
    %c0_i32 = arith.constant 0 : i32
    %c0_i32_0 = arith.constant 0 : i32
    %c0_i32_1 = arith.constant 0 : i32
    return %c0_i32, %c0_i32_0 : i32, i32
  }
  func.func @transform_4(%arg0: i32) -> (i32, i32) {
    %c0_i32 = arith.constant 0 : i32
    %c0_i32_0 = arith.constant 0 : i32
    %c0_i32_1 = arith.constant 0 : i32
    return %c0_i32, %c0_i32_0 : i32, i32
  }
  func.func @transform_5(%arg0: i32) -> (i32, i32) {
    %c0_i32 = arith.constant 0 : i32
    %c0_i32_0 = arith.constant 0 : i32
    return %arg0, %c0_i32 : i32, i32
  }
}

</mosaic_0001>

<sc_bundles>
// kernel: kernel.6.cloned.1.call-start
scs
__scs_entry_jumppad:
0x0: {  	(pc) =	sbr.rel $0x88, $3  }
0x1: {  	(tag) =	ssettag $0x0;
	lr =	simm.s32 $0x1  }
0x2: {  	[smem:$0x3F9B] =	sst lr;
	_ =	strace $0xD0000000  }
0x3: {  	_ = 	snop  }
0x4: {  	_ = 	snop  }
0x5: {  	_ = 	snop  }
0x6: {  	_ = 	snop  }
0x7: {  	_ = 	snop  }
__scs_overlays_trampoline_lowered:
0x8: {  	[smem:$0x3FAA] =	sst s0  }
0x9: {  	[smem:$0x3FAB] =	sst s1  }
0xa: {  	[smem:$0x3FAC] =	sst s2  }
0xb: {  	[smem:$0x3FAD] =	sst s3  }
0xc: {  	[smem:$0x3FAE] =	sst s4  }
0xd: {  	[smem:$0x3FAF] =	sst s5  }
0xe: {  	[smem:$0x3FB0] =	sst s6  }
0xf: {  	[smem:$0x3FB1] =	sst s7  }
0x10: {  	[smem:$0x3FB2] =	sst s8  }
0x11: {  	[smem:$0x3FB3] =	sst s9;
	s0 =	simm.s32 @!p0 $0x0  }
0x12: {  	s1 =	sld [smem:$0x3F99];
	s0 =	simm.s32 @p0 $0x1  }
0x13: {  	[smem:$0x3FB4] =	sst s0;
	s0 =	simm.s32 @!p1 $0x0  }
0x14: {  	s2 =	sld [smem:$0x3F98];
	s0 =	simm.s32 @p1 $0x1  }
0x15: {  	[smem:$0x3FB5] =	sst s0;
	s0 =	simm.s32 @!p2 $0x0  }
0x16: {  	s3 =	sld [smem:$0x3FDB];
	s0 =	simm.s32 @p2 $0x1  }
0x17: {  	s4 =	simm.s32 $0x1BF5;
	[smem:$0x3FB7] =	sst s0  }
0x18: {  	s0 =	sld [smem:$0x3F9A];
	_ =	swait.ge [sflag:s4], $0x0  }
0x19: {  	s7 =	sld [smem:$0x3F9B]  }
0x1a: {  	s8 =	sadd.s32 $0xFFFFE003, lr  }
0x1b: {  	s9 =	sadd.s32 $0xFFFFFEF7, lr;
	s5 =	simm.s32 $0xFFFFFFFF;
	p2 =	slt.u32 s8, $0xFFFFF086  }
0x1c: {  	p1 =	slt.u32 s9, $0xF7A;
	s5 =	simm.s32 @!p2 $0x0  }
0x1d: {  	s5 =	simm.s32 @p1 $0x1;
	p0 =	seq.s32 s7, s2  }
0x1e: {  	s7 =	smul.u32 @!p0 $0xF7A, s2;
	p2 =	seq.s32 @!p0 s5, $0x0  }
0x1f: {  	s9 =	smul.u32 $0xF7A, s1;
	s8 =	simm.s32 @!p0 $0x1BF5;
	p2 =	por !p2, p0  }
0x20: {  	[sflag:s8] =	ssyncset.s32 @!p0 $0xFFFFF086;
	s6 =	sadd.s32 @!p0 s3, s7;
	s7 =	simm.s32 @!p0 $0x108  }
0x21: {  	s3 =	sadd.s32 s3, s9;
	s6 =	sadd.s32 @!p0 $0x88, s6;
	s7 =	simm.s32 @p2 $0x1082  }
0x22: {  	[simem:s7], [sflag:s8] =	dma.local @!p0 [hbm:s6], $0xF7A  }
0x23: {  	s9 =	sor.u32 $0xD0000000, s2;
	s6 =	simm.s32 $0x108;
	_ =	swait.ge @!p0 [sflag:s8], $0x0  }
0x24: {  	s3 =	sadd.s32 $0x88, s3;
	s6 =	simm.s32 @!p1 $0x1082;
	[sflag:s4] =	ssyncset.s32 $0xFFFFF086  }
0x25: {  	[simem:s6], [sflag:s4] =	dma.local [hbm:s3], $0xF7A  }
0x26: {  	[smem:$0x3F9B] =	sst s1;
	(tag) =	ssettag s2;
	_ =	strace s9  }
0x27: {  	s1 =	sld [smem:$0x3FAB]  }
0x28: {  	s2 =	sld [smem:$0x3FAC]  }
0x29: {  	s4 =	sld [smem:$0x3FAE]  }
0x2a: {  	p0 =	seq.s32 s5, $0x0;
	s5 =	sld [smem:$0x3FAF]  }
0x2b: {  	s6 =	sld [smem:$0x3FB0]  }
0x2c: {  	s7 =	sld [smem:$0x3FB1]  }
0x2d: {  	s3 =	simm.s32 $0x108;
	s8 =	sld [smem:$0x3FB2]  }
0x2e: {  	s3 =	simm.s32 @!p0 $0x1082;
	s9 =	sld [smem:$0x3FB3]  }
0x2f: {  	lr =	sadd.s32 s0, s3;
	s0 =	sld [smem:$0x3FAA]  }
0x30: {  	s3 =	sld [smem:$0x3FAD]  }
0x31: {  	[smem:$0x3FB6] =	sst s10  }
0x32: {  	s10 =	sld [smem:$0x3FB4];
	_ =	sdelay $0x3  }
0x33: {  	p0 =	seq.s32 s10, $0x1;
	s10 =	sld [smem:$0x3FB6];
	_ =	sdelay $0x3  }
0x34: {  	[smem:$0x3FB6] =	sst s10  }
0x35: {  	s10 =	sld [smem:$0x3FB5];
	_ =	sdelay $0x3  }
0x36: {  	p1 =	seq.s32 s10, $0x1;
	s10 =	sld [smem:$0x3FB6];
	_ =	sdelay $0x3  }
0x37: {  	[smem:$0x3FB6] =	sst s10  }
0x38: {  	s10 =	sld [smem:$0x3FB7]  }
0x39: {  	_ = 	snop;
	(pc) =	sbr.ind lr, $3  }
0x3a: {  	_ = 	snop  }
0x3b: {  	_ = 	snop  }
0x3c: {  	p2 =	seq.s32 s10, $0x1;
	s10 =	sld [smem:$0x3FB6]  }
0x3d: {  	_ =	shalt  }
0x3e: {  	_ =	shalt  }
0x3f: {  	_ =	shalt  }
0x40: {  	_ =	shalt  }
0x41: {  	_ =	shalt  }
0x42: {  	_ =	shalt  }
0x43: {  	_ =	shalt  }
0x44: {  	_ =	shalt  }
0x45: {  	_ =	shalt  }
0x46: {  	_ =	shalt  }
0x47: {  	_ =	shalt  }
0x48: {  	_ =	shalt  }
0x49: {  	_ =	shalt  }
0x4a: {  	_ =	shalt  }
0x4b: {  	_ =	shalt  }
0x4c: {  	_ =	shalt  }
0x4d: {  	_ =	shalt  }
0x4e: {  	_ =	shalt  }
0x4f: {  	_ =	shalt  }
0x50: {  	_ =	shalt  }
0x51: {  	_ =	shalt  }
0x52: {  	_ =	shalt  }
0x53: {  	_ =	shalt  }
0x54: {  	_ =	shalt  }
0x55: {  	_ =	shalt  }
0x56: {  	_ =	shalt  }
0x57: {  	_ =	shalt  }
0x58: {  	_ =	shalt  }
0x59: {  	_ =	shalt  }
0x5a: {  	_ =	shalt  }
0x5b: {  	_ =	shalt  }
0x5c: {  	_ =	shalt  }
0x5d: {  	_ =	shalt  }
0x5e: {  	_ =	shalt  }
0x5f: {  	_ =	shalt  }
0x60: {  	_ =	shalt  }
0x61: {  	_ =	shalt  }
0x62: {  	_ =	shalt  }
0x63: {  	_ =	shalt  }
0x64: {  	_ =	shalt  }
0x65: {  	_ =	shalt  }
0x66: {  	_ =	shalt  }
0x67: {  	_ =	shalt  }
0x68: {  	_ =	shalt  }
0x69: {  	_ =	shalt  }
0x6a: {  	_ =	shalt  }
0x6b: {  	_ =	shalt  }
0x6c: {  	_ =	shalt  }
0x6d: {  	_ =	shalt  }
0x6e: {  	_ =	shalt  }
0x6f: {  	_ =	shalt  }
0x70: {  	_ =	shalt  }
0x71: {  	_ =	shalt  }
0x72: {  	_ =	shalt  }
0x73: {  	_ =	shalt  }
0x74: {  	_ =	shalt  }
0x75: {  	_ =	shalt  }
0x76: {  	_ =	shalt  }
0x77: {  	_ =	shalt  }
0x78: {  	_ =	shalt  }
0x79: {  	_ =	shalt  }
0x7a: {  	_ =	shalt  }
0x7b: {  	_ =	shalt  }
0x7c: {  	_ =	shalt  }
0x7d: {  	_ =	shalt  }
0x7e: {  	_ =	shalt  }
0x7f: {  	_ =	shalt  }
0x80: {  	_ =	shalt  }
0x81: {  	_ =	shalt  }
0x82: {  	_ =	shalt  }
0x83: {  	_ =	shalt  }
0x84: {  	_ =	shalt  }
0x85: {  	_ =	shalt  }
0x86: {  	_ =	shalt  }
0x87: {  	_ =	shalt  }
.Lfunc_end0:
.L_simem_size_0:
called_computation_lowered:
.L_overlay_start_0:
0x88: {  	s2 =	sld [smem:$0x3FD9]  }
0x89: {  	s3 =	sld [smem:$0x3FFE];
	_ =	sdelay $0x1  }
0x8a: {  	s1 =	srdreg.scid  }
0x8b: {  	s0 =	sand.u32 $0x1, s1  }
0x8c: {  	s17 =	sshll.u32 s0, $0xA;
	s2 =	sadd.s32 s3, s2  }
0x8d: {  	s2 =	sadd.s32 s2, s17  }
0x8e: {  	[smem:$0x3FC2] =	sst s2  }
0x8f: {  	_ = 	snop  }
0x90: {  	s2 =	sld [smem:$0x3FC9];
	(tm) =	ssettm $0x1  }
0x91: {  	s18 =	sld [smem:$0x3FFB];
	_ =	sdelay $0x3  }
0x92: {  	_ =	strace s18  }
0x93: {  	s3 =	sld [smem:$0x3FFC];
	_ =	sdelay $0x3  }
0x94: {  	_ =	strace s3  }
0x95: {  	s3 =	sld [smem:$0x3FFD];
	_ =	sdelay $0x3  }
0x96: {  	_ =	strace s3  }
0x97: {  	_ =	strace $0x8FFFFFFF  }
0x98: {  	s19 =	sld [smem:$0x3FDB];
	_ =	sdelay $0x1  }
0x99: {  	s4 =	simm.s32 $_scs_section_size  }
0x9a: {  	s5 =	simm.s32 $_size__tile_overlayer_lowered;
	s6 =	simm.s32 $_tile_overlayer_lowered  }
0x9b: {  	s22 =	simm.s32 $0x1BFF;
	s21 =	sshll.u32 s6, $0x1;
	s3 =	sadd.s32 s4, s19  }
0x9c: {  	s7 =	simm.s32 $0x0;
	s20 =	sshll.u32 s5, $0x1;
	s5 =	sadd.s32 s21, s3  }
0x9d: {  	[timem:s7], [sflag:s22] =	dma.local [hbm:s5], s20  }
0x9e: {  	_ =	swait.ge [sflag:s22], s20  }
0x9f: {  	s4 =	ssub.s32 $0x0, s20;
	[sflag:s22] =	ssyncset.done $0x0  }
0xa0: {  	[sflag:s22] =	ssyncadd.s32 s4;
	_ =	sdelay $0x1  }
0xa1: {  	s23 =	simm.s32 $0x1B8B  }
0xa2: {  	_ =	swait.ge [sflag:s23], $0x1  }
0xa3: {  	[sflag:s23] =	ssyncset.done $0x0  }
0xa4: {  	s25 =	simm.s32 $0x1B8E;
	s24 =	sld [smem:$0x3FFE];
	[sflag:s23] =	ssyncadd.s32 $0xFFFFFFFF  }
0xa5: {  	s26 =	simm.s32 $execute0_lowered;
	[smem:$0x3FD2] =	sst s25  }
0xa6: {  	s5 =	sshll.u32 s26, $0x1;
	_ =	strace $0x80000046;
	[dreg:$0x1] =	wrdreg $0xFFFFFFFF  }
0xa7: {  	s28 =	simm.s32 $_size_execute0_lowered;
	s3 =	sadd.s32 s3, s5;
	[dreg:$0x0] =	wrdreg $0x0  }
0xa8: {  	s5 =	sshll.u32 s28, $0x1;
	[dreg:$0x2] =	wrdreg s3  }
0xa9: {  	[dreg:$0x3] =	wrdreg s5  }
0xaa: {  	[dreg:$0x4] =	wrdreg $0xC0  }
0xab: {  	_ =	task [dreg:s7], $0x5FFFF  }
0xac: {  	[dreg:$0x1] =	wrdreg $0xFFFFFFFF  }
0xad: {  	[dreg:$0x0] =	wrdreg $0x60  }
0xae: {  	[dreg:$0x2] =	wrdreg s2  }
0xaf: {  	[dreg:$0x3] =	wrdreg s24  }
0xb0: {  	[dreg:$0x4] =	wrdreg $0x20000  }
0xb1: {  	[dreg:$0x5] =	wrdreg $0x159000  }
0xb2: {  	[dreg:$0x6] =	wrdreg $0x9  }
0xb3: {  	_ =	task.clear_ibuf [dreg:s7], $0x7FFFF;
	_ =	strace $0x90000046  }
0xb4: {  	s29 =	simm.s32 $0x9;
	_ =	strace $0x80000048  }
0xb5: {  	_ =	swait.ge [sflag:s29], $0x1  }
0xb6: {  	[sflag:s29] =	ssyncadd.s32 $0xFFFFFFFF  }
0xb7: {  	_ =	strace $0x90000048  }
0xb8: {  	_ =	sfence  }
0xb9: {  	s30 =	sld [smem:$0x0];
	_ =	sdelay $0x2  }
0xba: {  	s31 =	sshll.u32 s1, $0xD;
	s1 =	sshrl.u32 s1, $0x2  }
0xbb: {  	s3 =	sand.u32 $0x4000, s31;
	s1 =	sadd.s32 s1, s30  }
0xbc: {  	s0 =	sor.u32 s3, s0;
	s1 =	sshll.u32 s1, $0x11  }
0xbd: {  	s0 =	sor.u32 s1, s0  }
0xbe: {  	s0 =	sadd.s32 $0x8F2B, s0  }
0xbf: {  	[sflag:s0] =	ssyncadd.remote.s32 $0x1  }
0xc0: {  	_ =	sfence.sel $0xFFFF  }
0xc1: {  	[dreg:$0x0] =	wrdreg $0xFFFFFFFF;
	(pc) =	sbr.abs _section_cstart, $3  }
0xc2: {  	[dreg:$0x1] =	wrdreg $0xFFFFFFFF  }
0xc3: {  	_ =	task.clear_ibuf [dreg:s7], $0x2FFFF;
	_ =	strace $0x9FFFFFFF  }
0xc4: {  	(tm) =	ssettm $0x7FFFFFFF  }
0xc5: {  	_ =	shalt  }
tec
execute0_lowered:
.L_overlay_start_1:
0x0: {  	(tag) =	ssettag $0x1  }
0x1: {  	s4 =	rddreg [dreg:$0x0]  }
0x2: {  	s5 =	rddreg [dreg:$0x1]  }
0x3: {  	s0 =	rddreg [dreg:$0x2]  }
0x4: {  	s1 =	srdreg.scid;
	s2 =	rddreg [dreg:$0x3];
	s3 =	simm.s32 $0x0  }
0x5: {  	s12 =	simm.s32 $0x80;
	s13 =	simm.s32 $0x100;
	s14 =	simm.s32 $0x880  }
0x6: {  	s15 =	simm.s32 $0x180;
	s17 =	simm.s32 $0x900;
	s28 =	simm.s32 $0xD00  }
0x7: {  	s29 =	simm.s32 $0x600;
	s30 =	simm.s32 $0xD80;
	s6 =	sand.u32 $0x1, s1  }
0x8: {  	s31 =	simm.s32 $0x680;
	s1 =	stileid.u32;
	s7 =	smul.u32 $0x278000, s6  }
0x9: {  	[smem:$0x7FF] =	sst s3;
	s11 =	sadd.s32 $0x13E200, s5;
	s8 =	smul.u32 $0x27800, s1  }
0xa: {  	s9 =	smul.u32 $0x9E000, s6;
	_ =	strace $0x80000047;
	[dreg:$0x14] =	wrdreg s11  }
0xb: {  	s25 =	sadd.s32 $0x138800, s0;
	s18 =	smul.u32 $0x13C00, s1;
	[dreg:$0x7] =	wrdreg s12  }
0xc: {  	s10 =	smul.u32 $0x278, s1;
	s6 =	ssub.s32 $0x2, s6;
	[dreg:$0x8] =	wrdreg s13  }
0xd: {  	s22 =	sshll.u32 s1, $0x6;
	s23 =	smul.u32 $0x4F000, s1;
	[dreg:$0x9] =	wrdreg s14  }
0xe: {  	p0 =	sne.s32 s1, $0x0;
	[dreg:$0xa] =	wrdreg s15;
	s11 =	simm.s32 $0x3  }
0xf: {  	[dreg:$0xb] =	wrdreg s17;
	s14 =	simm.s32 $0x10;
	s15 =	simm.s32 $0x1000  }
0x10: {  	s17 =	simm.s32 $0x1800;
	p1 =	sgt.u32 s1, $0x7;
	s1 =	simm.s32 $0xE00  }
0x11: {  	s12 =	simm.s32 $0x700;
	s13 =	simm.s32 $0xE80;
	s20 =	sshrl.u32 s6, $0x1  }
0x12: {  	s24 =	sor.u32 $0x1C03, s22;
	s22 =	simm.s32 $0xA00;
	s7 =	sadd.s32 s8, s7  }
0x13: {  	s8 =	sadd.s32 s18, s9;
	s19 =	smin.u32 s10, $0x2498;
	s6 =	ssub.s32 s6, s20  }
0x14: {  	s18 =	simm.s32 $0x200;
	[dreg:$0xf] =	wrdreg s22;
	s22 =	simm.s32 $0x480  }
0x15: {  	s10 =	sshll.u32 s19, $0x7;
	s6 =	smax.u32 s6, $0x1;
	[dreg:$0xc] =	wrdreg s18  }
0x16: {  	s9 =	sshll.u32 s19, $0x4;
	s19 =	simm.s32 $0x980;
	[dreg:$0x19] =	wrdreg s6  }
0x17: {  	s7 =	sshrl.u32 s7, $0x3;
	s4 =	sadd.s32 s4, s9;
	[dreg:$0xd] =	wrdreg s19  }
0x18: {  	s9 =	sshrl.u32 s23, $0x2;
	s23 =	simm.s32 $0x300;
	[dreg:$0x15] =	wrdreg s4  }
0x19: {  	s6 =	smov.u32 s24;
	s24 =	simm.s32 $0xA80;
	[dreg:$0x10] =	wrdreg s23  }
0x1a: {  	s8 =	sshrl.u32 s8, $0x3;
	s7 =	sadd.s32 s7, s5;
	[dreg:$0x11] =	wrdreg s24  }
0x1b: {  	s18 =	simm.s32 $0x1;
	s26 =	sadd.s32 $0x2200, s7;
	[dreg:$0x16] =	wrdreg s6  }
0x1c: {  	s5 =	sadd.s32 s8, s5;
	s7 =	sadd.s32 $0xA0200, s7;
	[dreg:$0x5] =	wrdreg s26  }
0x1d: {  	s21 =	sadd.s32 s10, s0;
	s5 =	sadd.s32 $0x140A00, s5;
	[dreg:$0x6] =	wrdreg s7  }
0x1e: {  	s19 =	simm.s32 $0x2;
	s16 =	sshrl.u32 s21, $0x3;
	[dreg:$0x18] =	wrdreg s5  }
0x1f: {  	s8 =	simm.s32 $0xF00;
	s4 =	sshrl.u32 s25, $0x3;
	[dreg:$0x1a] =	wrdreg s16  }
0x20: {  	s10 =	simm.s32 $0x0;
	s9 =	sadd.s32 s9, s2;
	[dreg:$0x1b] =	wrdreg s4  }
0x21: {  	s21 =	simm.s32 $0x280;
	s25 =	simm.s32 $0x380;
	[dreg:$0x17] =	wrdreg s9  }
0x22: {  	s23 =	simm.s32 $0xC00;
	s24 =	simm.s32 $0x500;
	[dreg:$0xe] =	wrdreg s21  }
0x23: {  	s20 =	sshrl.u32 s9, $0x3;
	s16 =	simm.s32 $0x800;
	[dreg:$0x12] =	wrdreg s25  }
0x24: {  	s26 =	simm.s32 $0xB00;
	s21 =	simm.s32 $0xB80;
	s25 =	simm.s32 $0xC80  }
0x25: {  	s5 =	simm.s32 $0x780;
	s9 =	simm.s32 $0xF80;
	[dreg:$0x1c] =	wrdreg s20  }
0x26: {  	[dreg:$0x13] =	wrdreg s26;
	s20 =	simm.s32 $0x400;
	s26 =	simm.s32 $0x580  }
.LBB2_1:
0x27: {  	s4 =	rddreg [dreg:$0x15]  }
.Ltmp0:
0x28: {  	s7 =	rddreg [dreg:$0x1a];
	(pc) =	sbr.rel @!p0 .LBB2_2-.Ltmp0, $4  }
0x29: {  	[spmem:s7], [sflag:s6] =	dma.local [hbm:s4], $0x2780  }
0x2a: {  	_ =	swait.ge [sflag:s11], $0x2780  }
0x2b: {  	[sflag:s11] =	ssyncset.done $0x0  }
0x2c: {  	[dreg:$0x1d] =	wrdreg s10;
	[sflag:s11] =	ssyncadd.s32 $0xFFFFD880  }
.Ltmp1:
0x2d: {  	(pc) =	sbr.rel @p1 .LBB2_5-.Ltmp1, $4  }
.Ltmp2:
0x2e: {  	(pc) =	sbr.rel @!p1 .LBB2_4-.Ltmp2, $4  }
0x2f: {  	_ = 	snop  }
0x30: {  	_ = 	snop  }
0x31: {  	p2 =	por $0x0, $0x0  }
0x32: {  	_ = 	snop  }
.LBB2_2:
0x33: {  	s4 =	rddreg [dreg:$0x14]  }
0x34: {  	s7 =	rddreg [dreg:$0x1b]  }
0x35: {  	[spmem:s7], [sflag:s6] =	dma.local [hbm:s4], $0x100  }
0x36: {  	_ =	swait.ge [sflag:s11], $0x100  }
0x37: {  	[sflag:s11] =	ssyncset.done $0x0  }
0x38: {  	[sflag:s11] =	ssyncadd.s32 $0xFFFFFF00  }
.LBB2_4:
0x39: {  	s4 =	rddreg [dreg:$0x14]  }
0x3a: {  	s7 =	rddreg [dreg:$0x1c]  }
0x3b: {  	[spmem:s7], [sflag:s6] =	dma.local [hbm:s4], $0x2780  }
0x3c: {  	_ =	swait.ge [sflag:s11], $0x2780  }
0x3d: {  	[sflag:s11] =	ssyncset.done $0x0  }
0x3e: {  	p2 =	por $0x1, $0x1;
	[sflag:s11] =	ssyncadd.s32 $0xFFFFD880  }
.LBB2_5:
0x3f: {  	[bflag:$0x0] =	sbarrier.arrive $0xFFFF  }
0x40: {  	s4 =	rddreg [dreg:$0x6]  }
0x41: {  	s4 =	sadd.s32 $0x0, s4  }
0x42: {  	[tilespmem:s3], [sflag:$0x3] =	stream.linear.gather [hbm4b:s4+s3], $0x800, $0x38;
	[tilespmem:$0x1F700] =	vst v63  }
0x43: {  	_ =	swait.ge [sflag:s11], $0x800  }
0x44: {  	[sflag:s11] =	ssyncset.done $0x0  }
0x45: {  	s7 =	rddreg [dreg:$0x5];
	[sflag:s11] =	ssyncadd.s32 $0xFFFFF800  }
0x46: {  	[tilespmem:s15], [sflag:$0x1] =	stream.indirect.gather [spmem:s0], $0x80, s3, s14, $0xb8;
	[tilespmem:$0x1F700] =	vst v63  }
0x47: {  	s4 =	sadd.s32 $0x0, s7  }
0x48: {  	[tilespmem:s16], [sflag:$0x3] =	stream.linear.gather [hbm4b:s4+s3], $0x800, $0x38;
	[tilespmem:$0x1F700] =	vst v63  }
0x49: {  	_ =	swait.ge [sflag:s11], $0x800  }
0x4a: {  	[sflag:s11] =	ssyncset.done $0x0  }
0x4b: {  	s10 =	rddreg [dreg:$0x7];
	[sflag:s11] =	ssyncadd.s32 $0xFFFFF800  }
0x4c: {  	[tilespmem:s17], [sflag:$0x2] =	stream.indirect.gather [spmem:s0], $0x80, s10, s14, $0xb8;
	[tilespmem:$0x1F700] =	vst v63  }
0x4d: {  	_ =	swait.ge [sflag:s18], $0x800  }
0x4e: {  	[sflag:s18] =	ssyncset.done $0x0  }
0x4f: {  	[sflag:s18] =	ssyncadd.s32 $0xFFFFF800  }
0x50: {  	[spmem:s2] =	stream.indirect.scatter.add.f32 [tilespmem:s15], [sflag:$0x3], $0x80, s16, s14, $0xb8;
	[tilespmem:$0x1F700] =	vst v63  }
0x51: {  	_ =	swait.ge [sflag:s11], $0x800  }
0x52: {  	[sflag:s11] =	ssyncset.done $0x0  }
0x53: {  	s6 =	rddreg [dreg:$0x8];
	[sflag:s11] =	ssyncadd.s32 $0xFFFFF800  }
0x54: {  	[tilespmem:s15], [sflag:$0x1] =	stream.indirect.gather [spmem:s0], $0x80, s6, s14, $0xb8;
	[tilespmem:$0x1F700] =	vst v63  }
0x55: {  	_ =	swait.ge [sflag:s19], $0x800  }
0x56: {  	[sflag:s19] =	ssyncset.done $0x0  }
0x57: {  	s7 =	rddreg [dreg:$0x9];
	[sflag:s19] =	ssyncadd.s32 $0xFFFFF800  }
0x58: {  	[spmem:s2] =	stream.indirect.scatter.add.f32 [tilespmem:s17], [sflag:$0x3], $0x80, s7, s14, $0xb8;
	[tilespmem:$0x1F700] =	vst v63  }
0x59: {  	_ =	swait.ge [sflag:s11], $0x800  }
0x5a: {  	[sflag:s11] =	ssyncset.done $0x0  }
0x5b: {  	s10 =	rddreg [dreg:$0xa];
	[sflag:s11] =	ssyncadd.s32 $0xFFFFF800  }
0x5c: {  	[tilespmem:s17], [sflag:$0x2] =	stream.indirect.gather [spmem:s0], $0x80, s10, s14, $0xb8;
	[tilespmem:$0x1F700] =	vst v63  }
0x5d: {  	_ =	swait.ge [sflag:s18], $0x800  }
0x5e: {  	[sflag:s18] =	ssyncset.done $0x0  }
0x5f: {  	s6 =	rddreg [dreg:$0xb];
	[sflag:s18] =	ssyncadd.s32 $0xFFFFF800  }
0x60: {  	[spmem:s2] =	stream.indirect.scatter.add.f32 [tilespmem:s15], [sflag:$0x3], $0x80, s6, s14, $0xb8;
	[tilespmem:$0x1F700] =	vst v63  }
0x61: {  	_ =	swait.ge [sflag:s11], $0x800  }
0x62: {  	[sflag:s11] =	ssyncset.done $0x0  }
0x63: {  	s7 =	rddreg [dreg:$0xc];
	[sflag:s11] =	ssyncadd.s32 $0xFFFFF800  }
0x64: {  	[tilespmem:s15], [sflag:$0x1] =	stream.indirect.gather [spmem:s0], $0x80, s7, s14, $0xb8;
	[tilespmem:$0x1F700] =	vst v63  }
0x65: {  	_ =	swait.ge [sflag:s19], $0x800  }
0x66: {  	[sflag:s19] =	ssyncset.done $0x0  }
0x67: {  	s10 =	rddreg [dreg:$0xd];
	[sflag:s19] =	ssyncadd.s32 $0xFFFFF800  }
0x68: {  	[spmem:s2] =	stream.indirect.scatter.add.f32 [tilespmem:s17], [sflag:$0x3], $0x80, s10, s14, $0xb8;
	[tilespmem:$0x1F700] =	vst v63  }
0x69: {  	_ =	swait.ge [sflag:s11], $0x800  }
0x6a: {  	[sflag:s11] =	ssyncset.done $0x0  }
0x6b: {  	s6 =	rddreg [dreg:$0xe];
	[sflag:s11] =	ssyncadd.s32 $0xFFFFF800  }
0x6c: {  	[tilespmem:s17], [sflag:$0x2] =	stream.indirect.gather [spmem:s0], $0x80, s6, s14, $0xb8;
	[tilespmem:$0x1F700] =	vst v63  }
0x6d: {  	_ =	swait.ge [sflag:s18], $0x800  }
0x6e: {  	[sflag:s18] =	ssyncset.done $0x0  }
0x6f: {  	s7 =	rddreg [dreg:$0xf];
	[sflag:s18] =	ssyncadd.s32 $0xFFFFF800  }
0x70: {  	[spmem:s2] =	stream.indirect.scatter.add.f32 [tilespmem:s15], [sflag:$0x3], $0x80, s7, s14, $0xb8;
	[tilespmem:$0x1F700] =	vst v63  }
0x71: {  	_ =	swait.ge [sflag:s11], $0x800  }
0x72: {  	[sflag:s11] =	ssyncset.done $0x0  }
0x73: {  	s10 =	rddreg [dreg:$0x10];
	[sflag:s11] =	ssyncadd.s32 $0xFFFFF800  }
0x74: {  	[tilespmem:s15], [sflag:$0x1] =	stream.indirect.gather [spmem:s0], $0x80, s10, s14, $0xb8;
	[tilespmem:$0x1F700] =	vst v63  }
0x75: {  	_ =	swait.ge [sflag:s19], $0x800  }
0x76: {  	[sflag:s19] =	ssyncset.done $0x0  }
0x77: {  	s6 =	rddreg [dreg:$0x11];
	[sflag:s19] =	ssyncadd.s32 $0xFFFFF800  }
0x78: {  	[spmem:s2] =	stream.indirect.scatter.add.f32 [tilespmem:s17], [sflag:$0x3], $0x80, s6, s14, $0xb8;
	[tilespmem:$0x1F700] =	vst v63  }
0x79: {  	_ =	swait.ge [sflag:s11], $0x800  }
0x7a: {  	[sflag:s11] =	ssyncset.done $0x0  }
0x7b: {  	s7 =	rddreg [dreg:$0x12];
	[sflag:s11] =	ssyncadd.s32 $0xFFFFF800  }
0x7c: {  	[tilespmem:s17], [sflag:$0x2] =	stream.indirect.gather [spmem:s0], $0x80, s7, s14, $0xb8;
	[tilespmem:$0x1F700] =	vst v63  }
0x7d: {  	_ =	swait.ge [sflag:s18], $0x800  }
0x7e: {  	[sflag:s18] =	ssyncset.done $0x0  }
0x7f: {  	s10 =	rddreg [dreg:$0x13];
	[sflag:s18] =	ssyncadd.s32 $0xFFFFF800  }
0x80: {  	[spmem:s2] =	stream.indirect.scatter.add.f32 [tilespmem:s15], [sflag:$0x3], $0x80, s10, s14, $0xb8;
	[tilespmem:$0x1F700] =	vst v63  }
0x81: {  	_ =	swait.ge [sflag:s11], $0x800  }
0x82: {  	[sflag:s11] =	ssyncset.done $0x0  }
0x83: {  	[sflag:s11] =	ssyncadd.s32 $0xFFFFF800  }
0x84: {  	[tilespmem:s15], [sflag:$0x1] =	stream.indirect.gather [spmem:s0], $0x80, s20, s14, $0xb8;
	[tilespmem:$0x1F700] =	vst v63  }
0x85: {  	_ =	swait.ge [sflag:s19], $0x800  }
0x86: {  	[sflag:s19] =	ssyncset.done $0x0  }
0x87: {  	[sflag:s19] =	ssyncadd.s32 $0xFFFFF800  }
0x88: {  	[spmem:s2] =	stream.indirect.scatter.add.f32 [tilespmem:s17], [sflag:$0x3], $0x80, s21, s14, $0xb8;
	[tilespmem:$0x1F700] =	vst v63  }
0x89: {  	_ =	swait.ge [sflag:s11], $0x800  }
0x8a: {  	[sflag:s11] =	ssyncset.done $0x0  }
0x8b: {  	[sflag:s11] =	ssyncadd.s32 $0xFFFFF800  }
0x8c: {  	[tilespmem:s17], [sflag:$0x2] =	stream.indirect.gather [spmem:s0], $0x80, s22, s14, $0xb8;
	[tilespmem:$0x1F700] =	vst v63  }
0x8d: {  	_ =	swait.ge [sflag:s18], $0x800  }
0x8e: {  	[sflag:s18] =	ssyncset.done $0x0  }
0x8f: {  	[sflag:s18] =	ssyncadd.s32 $0xFFFFF800  }
0x90: {  	[spmem:s2] =	stream.indirect.scatter.add.f32 [tilespmem:s15], [sflag:$0x3], $0x80, s23, s14, $0xb8;
	[tilespmem:$0x1F700] =	vst v63  }
0x91: {  	_ =	swait.ge [sflag:s11], $0x800  }
0x92: {  	[sflag:s11] =	ssyncset.done $0x0  }
0x93: {  	[sflag:s11] =	ssyncadd.s32 $0xFFFFF800  }
0x94: {  	[tilespmem:s15], [sflag:$0x1] =	stream.indirect.gather [spmem:s0], $0x80, s24, s14, $0xb8;
	[tilespmem:$0x1F700] =	vst v63  }
0x95: {  	_ =	swait.ge [sflag:s19], $0x800  }
0x96: {  	[sflag:s19] =	ssyncset.done $0x0  }
0x97: {  	[sflag:s19] =	ssyncadd.s32 $0xFFFFF800  }
0x98: {  	[spmem:s2] =	stream.indirect.scatter.add.f32 [tilespmem:s17], [sflag:$0x3], $0x80, s25, s14, $0xb8;
	[tilespmem:$0x1F700] =	vst v63  }
0x99: {  	_ =	swait.ge [sflag:s11], $0x800  }
0x9a: {  	[sflag:s11] =	ssyncset.done $0x0  }
0x9b: {  	[sflag:s11] =	ssyncadd.s32 $0xFFFFF800  }
0x9c: {  	[tilespmem:s17], [sflag:$0x2] =	stream.indirect.gather [spmem:s0], $0x80, s26, s14, $0xb8;
	[tilespmem:$0x1F700] =	vst v63  }
0x9d: {  	_ =	swait.ge [sflag:s18], $0x800  }
0x9e: {  	[sflag:s18] =	ssyncset.done $0x0  }
0x9f: {  	[sflag:s18] =	ssyncadd.s32 $0xFFFFF800  }
0xa0: {  	[spmem:s2] =	stream.indirect.scatter.add.f32 [tilespmem:s15], [sflag:$0x3], $0x80, s28, s14, $0xb8;
	[tilespmem:$0x1F700] =	vst v63  }
0xa1: {  	_ =	swait.ge [sflag:s11], $0x800  }
0xa2: {  	[sflag:s11] =	ssyncset.done $0x0  }
0xa3: {  	[sflag:s11] =	ssyncadd.s32 $0xFFFFF800  }
0xa4: {  	[tilespmem:s15], [sflag:$0x1] =	stream.indirect.gather [spmem:s0], $0x80, s29, s14, $0xb8;
	[tilespmem:$0x1F700] =	vst v63  }
0xa5: {  	_ =	swait.ge [sflag:s19], $0x800  }
0xa6: {  	[sflag:s19] =	ssyncset.done $0x0  }
0xa7: {  	[sflag:s19] =	ssyncadd.s32 $0xFFFFF800  }
0xa8: {  	[spmem:s2] =	stream.indirect.scatter.add.f32 [tilespmem:s17], [sflag:$0x3], $0x80, s30, s14, $0xb8;
	[tilespmem:$0x1F700] =	vst v63  }
0xa9: {  	_ =	swait.ge [sflag:s11], $0x800  }
0xaa: {  	[sflag:s11] =	ssyncset.done $0x0  }
0xab: {  	[sflag:s11] =	ssyncadd.s32 $0xFFFFF800  }
0xac: {  	[tilespmem:s17], [sflag:$0x2] =	stream.indirect.gather [spmem:s0], $0x80, s31, s14, $0xb8;
	[tilespmem:$0x1F700] =	vst v63  }
0xad: {  	_ =	swait.ge [sflag:s18], $0x800  }
0xae: {  	[sflag:s18] =	ssyncset.done $0x0  }
0xaf: {  	[sflag:s18] =	ssyncadd.s32 $0xFFFFF800  }
0xb0: {  	[spmem:s2] =	stream.indirect.scatter.add.f32 [tilespmem:s15], [sflag:$0x3], $0x80, s1, s14, $0xb8;
	[tilespmem:$0x1F700] =	vst v63  }
0xb1: {  	_ =	swait.ge [sflag:s11], $0x800  }
0xb2: {  	[sflag:s11] =	ssyncset.done $0x0  }
0xb3: {  	[sflag:s11] =	ssyncadd.s32 $0xFFFFF800  }
0xb4: {  	[tilespmem:s15], [sflag:$0x1] =	stream.indirect.gather [spmem:s0], $0x80, s12, s14, $0xb8;
	[tilespmem:$0x1F700] =	vst v63  }
0xb5: {  	_ =	swait.ge [sflag:s19], $0x800  }
0xb6: {  	[sflag:s19] =	ssyncset.done $0x0  }
0xb7: {  	[sflag:s19] =	ssyncadd.s32 $0xFFFFF800  }
0xb8: {  	[spmem:s2] =	stream.indirect.scatter.add.f32 [tilespmem:s17], [sflag:$0x3], $0x80, s13, s14, $0xb8;
	[tilespmem:$0x1F700] =	vst v63  }
0xb9: {  	_ =	swait.ge [sflag:s11], $0x800  }
0xba: {  	[sflag:s11] =	ssyncset.done $0x0  }
0xbb: {  	[sflag:s11] =	ssyncadd.s32 $0xFFFFF800  }
0xbc: {  	[tilespmem:s17], [sflag:$0x2] =	stream.indirect.gather [spmem:s0], $0x80, s5, s14, $0xb8;
	[tilespmem:$0x1F700] =	vst v63  }
0xbd: {  	_ =	swait.ge [sflag:s18], $0x800  }
0xbe: {  	[sflag:s18] =	ssyncset.done $0x0  }
0xbf: {  	[sflag:s18] =	ssyncadd.s32 $0xFFFFF800  }
0xc0: {  	[spmem:s2] =	stream.indirect.scatter.add.f32 [tilespmem:s15], [sflag:$0x3], $0x80, s8, s14, $0xb8;
	[tilespmem:$0x1F700] =	vst v63  }
0xc1: {  	_ =	swait.ge [sflag:s11], $0x800  }
0xc2: {  	[sflag:s11] =	ssyncset.done $0x0  }
0xc3: {  	[sflag:s11] =	ssyncadd.s32 $0xFFFFF800  }
0xc4: {  	_ =	swait.ge [sflag:s19], $0x800  }
0xc5: {  	[sflag:s19] =	ssyncset.done $0x0  }
0xc6: {  	[sflag:s19] =	ssyncadd.s32 $0xFFFFF800  }
0xc7: {  	[spmem:s2] =	stream.indirect.scatter.add.f32 [tilespmem:s17], [sflag:$0x3], $0x80, s9, s14, $0xb8;
	[tilespmem:$0x1F700] =	vst v63  }
0xc8: {  	s4 =	simm.s32 $0x200;
	_ =	swait.ge [sflag:s11], $0x800  }
0xc9: {  	s7 =	simm.s32 $0x100;
	s6 =	rddreg [dreg:$0x6];
	[sflag:s11] =	ssyncset.done $0x0  }
.LBB2_6:
0xca: {  	[sflag:s11] =	ssyncadd.s32 $0xFFFFF800;
	s6 =	sadd.s32 s7, s6  }
0xcb: {  	[tilespmem:s3], [sflag:$0x3] =	stream.linear.gather [hbm4b:s6+s3], $0x800, $0x38;
	[tilespmem:$0x1F700] =	vst v63  }
0xcc: {  	_ =	swait.ge [sflag:s11], $0x800  }
0xcd: {  	[sflag:s11] =	ssyncset.done $0x0  }
0xce: {  	s6 =	rddreg [dreg:$0x5];
	[sflag:s11] =	ssyncadd.s32 $0xFFFFF800  }
0xcf: {  	[tilespmem:s15], [sflag:$0x1] =	stream.indirect.gather [spmem:s0], $0x80, s3, s14, $0xb8;
	[tilespmem:$0x1F700] =	vst v63  }
0xd0: {  	s6 =	sadd.s32 s7, s6  }
0xd1: {  	[tilespmem:s16], [sflag:$0x3] =	stream.linear.gather [hbm4b:s6+s3], $0x800, $0x38;
	[tilespmem:$0x1F700] =	vst v63  }
0xd2: {  	_ =	swait.ge [sflag:s11], $0x800  }
0xd3: {  	s10 =	smov.u32 s4;
	[sflag:s11] =	ssyncset.done $0x0  }
0xd4: {  	s7 =	smov.u32 s10;
	s10 =	rddreg [dreg:$0x7];
	[sflag:s11] =	ssyncadd.s32 $0xFFFFF800  }
0xd5: {  	[tilespmem:s17], [sflag:$0x2] =	stream.indirect.gather [spmem:s0], $0x80, s10, s14, $0xb8;
	[tilespmem:$0x1F700] =	vst v63  }
0xd6: {  	_ =	swait.ge [sflag:s18], $0x800  }
0xd7: {  	[sflag:s18] =	ssyncset.done $0x0  }
0xd8: {  	[sflag:s18] =	ssyncadd.s32 $0xFFFFF800  }
0xd9: {  	[spmem:s2] =	stream.indirect.scatter.add.f32 [tilespmem:s15], [sflag:$0x3], $0x80, s16, s14, $0xb8;
	[tilespmem:$0x1F700] =	vst v63  }
0xda: {  	_ =	swait.ge [sflag:s11], $0x800  }
0xdb: {  	[sflag:s11] =	ssyncset.done $0x0  }
0xdc: {  	s10 =	rddreg [dreg:$0x8];
	[sflag:s11] =	ssyncadd.s32 $0xFFFFF800  }
0xdd: {  	[tilespmem:s15], [sflag:$0x1] =	stream.indirect.gather [spmem:s0], $0x80, s10, s14, $0xb8;
	[tilespmem:$0x1F700] =	vst v63  }
0xde: {  	_ =	swait.ge [sflag:s19], $0x800  }
0xdf: {  	[sflag:s19] =	ssyncset.done $0x0  }
0xe0: {  	s10 =	rddreg [dreg:$0x9];
	[sflag:s19] =	ssyncadd.s32 $0xFFFFF800  }
0xe1: {  	[spmem:s2] =	stream.indirect.scatter.add.f32 [tilespmem:s17], [sflag:$0x3], $0x80, s10, s14, $0xb8;
	[tilespmem:$0x1F700] =	vst v63  }
0xe2: {  	_ =	swait.ge [sflag:s11], $0x800  }
0xe3: {  	[sflag:s11] =	ssyncset.done $0x0  }
0xe4: {  	s10 =	rddreg [dreg:$0xa];
	[sflag:s11] =	ssyncadd.s32 $0xFFFFF800  }
0xe5: {  	[tilespmem:s17], [sflag:$0x2] =	stream.indirect.gather [spmem:s0], $0x80, s10, s14, $0xb8;
	[tilespmem:$0x1F700] =	vst v63  }
0xe6: {  	_ =	swait.ge [sflag:s18], $0x800  }
0xe7: {  	[sflag:s18] =	ssyncset.done $0x0  }
0xe8: {  	s10 =	rddreg [dreg:$0xb];
	[sflag:s18] =	ssyncadd.s32 $0xFFFFF800  }
0xe9: {  	[spmem:s2] =	stream.indirect.scatter.add.f32 [tilespmem:s15], [sflag:$0x3], $0x80, s10, s14, $0xb8;
	[tilespmem:$0x1F700] =	vst v63  }
0xea: {  	_ =	swait.ge [sflag:s11], $0x800  }
0xeb: {  	[sflag:s11] =	ssyncset.done $0x0  }
0xec: {  	s10 =	rddreg [dreg:$0xc];
	[sflag:s11] =	ssyncadd.s32 $0xFFFFF800  }
0xed: {  	[tilespmem:s15], [sflag:$0x1] =	stream.indirect.gather [spmem:s0], $0x80, s10, s14, $0xb8;
	[tilespmem:$0x1F700] =	vst v63  }
0xee: {  	_ =	swait.ge [sflag:s19], $0x800  }
0xef: {  	[sflag:s19] =	ssyncset.done $0x0  }
0xf0: {  	s10 =	rddreg [dreg:$0xd];
	[sflag:s19] =	ssyncadd.s32 $0xFFFFF800  }
0xf1: {  	[spmem:s2] =	stream.indirect.scatter.add.f32 [tilespmem:s17], [sflag:$0x3], $0x80, s10, s14, $0xb8;
	[tilespmem:$0x1F700] =	vst v63  }
0xf2: {  	_ =	swait.ge [sflag:s11], $0x800  }
0xf3: {  	[sflag:s11] =	ssyncset.done $0x0  }
0xf4: {  	s10 =	rddreg [dreg:$0xe];
	[sflag:s11] =	ssyncadd.s32 $0xFFFFF800  }
0xf5: {  	[tilespmem:s17], [sflag:$0x2] =	stream.indirect.gather [spmem:s0], $0x80, s10, s14, $0xb8;
	[tilespmem:$0x1F700] =	vst v63  }
0xf6: {  	_ =	swait.ge [sflag:s18], $0x800  }
0xf7: {  	[sflag:s18] =	ssyncset.done $0x0  }
0xf8: {  	s10 =	rddreg [dreg:$0xf];
	[sflag:s18] =	ssyncadd.s32 $0xFFFFF800  }
0xf9: {  	[spmem:s2] =	stream.indirect.scatter.add.f32 [tilespmem:s15], [sflag:$0x3], $0x80, s10, s14, $0xb8;
	[tilespmem:$0x1F700] =	vst v63  }
0xfa: {  	_ =	swait.ge [sflag:s11], $0x800  }
0xfb: {  	[sflag:s11] =	ssyncset.done $0x0  }
0xfc: {  	s10 =	rddreg [dreg:$0x10];
	[sflag:s11] =	ssyncadd.s32 $0xFFFFF800  }
0xfd: {  	[tilespmem:s15], [sflag:$0x1] =	stream.indirect.gather [spmem:s0], $0x80, s10, s14, $0xb8;
	[tilespmem:$0x1F700] =	vst v63  }
0xfe: {  	_ =	swait.ge [sflag:s19], $0x800  }
0xff: {  	[sflag:s19] =	ssyncset.done $0x0  }
0x100: {  	s10 =	rddreg [dreg:$0x11];
	[sflag:s19] =	ssyncadd.s32 $0xFFFFF800  }
0x101: {  	[spmem:s2] =	stream.indirect.scatter.add.f32 [tilespmem:s17], [sflag:$0x3], $0x80, s10, s14, $0xb8;
	[tilespmem:$0x1F700] =	vst v63  }
0x102: {  	_ =	swait.ge [sflag:s11], $0x800  }
0x103: {  	[sflag:s11] =	ssyncset.done $0x0  }
0x104: {  	s10 =	rddreg [dreg:$0x12];
	[sflag:s11] =	ssyncadd.s32 $0xFFFFF800  }
0x105: {  	[tilespmem:s17], [sflag:$0x2] =	stream.indirect.gather [spmem:s0], $0x80, s10, s14, $0xb8;
	[tilespmem:$0x1F700] =	vst v63  }
0x106: {  	_ =	swait.ge [sflag:s18], $0x800  }
0x107: {  	[sflag:s18] =	ssyncset.done $0x0  }
0x108: {  	s10 =	rddreg [dreg:$0x13];
	[sflag:s18] =	ssyncadd.s32 $0xFFFFF800  }
0x109: {  	[spmem:s2] =	stream.indirect.scatter.add.f32 [tilespmem:s15], [sflag:$0x3], $0x80, s10, s14, $0xb8;
	[tilespmem:$0x1F700] =	vst v63  }
0x10a: {  	_ =	swait.ge [sflag:s11], $0x800  }
0x10b: {  	[sflag:s11] =	ssyncset.done $0x0  }
0x10c: {  	[sflag:s11] =	ssyncadd.s32 $0xFFFFF800  }
0x10d: {  	[tilespmem:s15], [sflag:$0x1] =	stream.indirect.gather [spmem:s0], $0x80, s20, s14, $0xb8;
	[tilespmem:$0x1F700] =	vst v63  }
0x10e: {  	_ =	swait.ge [sflag:s19], $0x800  }
0x10f: {  	[sflag:s19] =	ssyncset.done $0x0  }
0x110: {  	[sflag:s19] =	ssyncadd.s32 $0xFFFFF800  }
0x111: {  	[spmem:s2] =	stream.indirect.scatter.add.f32 [tilespmem:s17], [sflag:$0x3], $0x80, s21, s14, $0xb8;
	[tilespmem:$0x1F700] =	vst v63  }
0x112: {  	_ =	swait.ge [sflag:s11], $0x800  }
0x113: {  	[sflag:s11] =	ssyncset.done $0x0  }
0x114: {  	[sflag:s11] =	ssyncadd.s32 $0xFFFFF800  }
0x115: {  	[tilespmem:s17], [sflag:$0x2] =	stream.indirect.gather [spmem:s0], $0x80, s22, s14, $0xb8;
	[tilespmem:$0x1F700] =	vst v63  }
0x116: {  	_ =	swait.ge [sflag:s18], $0x800  }
0x117: {  	[sflag:s18] =	ssyncset.done $0x0  }
0x118: {  	[sflag:s18] =	ssyncadd.s32 $0xFFFFF800  }
0x119: {  	[spmem:s2] =	stream.indirect.scatter.add.f32 [tilespmem:s15], [sflag:$0x3], $0x80, s23, s14, $0xb8;
	[tilespmem:$0x1F700] =	vst v63  }
0x11a: {  	_ =	swait.ge [sflag:s11], $0x800  }
0x11b: {  	[sflag:s11] =	ssyncset.done $0x0  }
0x11c: {  	[sflag:s11] =	ssyncadd.s32 $0xFFFFF800  }
0x11d: {  	[tilespmem:s15], [sflag:$0x1] =	stream.indirect.gather [spmem:s0], $0x80, s24, s14, $0xb8;
	[tilespmem:$0x1F700] =	vst v63  }
0x11e: {  	_ =	swait.ge [sflag:s19], $0x800  }
0x11f: {  	[sflag:s19] =	ssyncset.done $0x0  }
0x120: {  	[sflag:s19] =	ssyncadd.s32 $0xFFFFF800  }
0x121: {  	[spmem:s2] =	stream.indirect.scatter.add.f32 [tilespmem:s17], [sflag:$0x3], $0x80, s25, s14, $0xb8;
	[tilespmem:$0x1F700] =	vst v63  }
0x122: {  	_ =	swait.ge [sflag:s11], $0x800  }
0x123: {  	[sflag:s11] =	ssyncset.done $0x0  }
0x124: {  	[sflag:s11] =	ssyncadd.s32 $0xFFFFF800  }
0x125: {  	[tilespmem:s17], [sflag:$0x2] =	stream.indirect.gather [spmem:s0], $0x80, s26, s14, $0xb8;
	[tilespmem:$0x1F700] =	vst v63  }
0x126: {  	_ =	swait.ge [sflag:s18], $0x800  }
0x127: {  	[sflag:s18] =	ssyncset.done $0x0  }
0x128: {  	[sflag:s18] =	ssyncadd.s32 $0xFFFFF800  }
0x129: {  	[spmem:s2] =	stream.indirect.scatter.add.f32 [tilespmem:s15], [sflag:$0x3], $0x80, s28, s14, $0xb8;
	[tilespmem:$0x1F700] =	vst v63  }
0x12a: {  	_ =	swait.ge [sflag:s11], $0x800  }
0x12b: {  	[sflag:s11] =	ssyncset.done $0x0  }
0x12c: {  	[sflag:s11] =	ssyncadd.s32 $0xFFFFF800  }
0x12d: {  	[tilespmem:s15], [sflag:$0x1] =	stream.indirect.gather [spmem:s0], $0x80, s29, s14, $0xb8;
	[tilespmem:$0x1F700] =	vst v63  }
0x12e: {  	_ =	swait.ge [sflag:s19], $0x800  }
0x12f: {  	[sflag:s19] =	ssyncset.done $0x0  }
0x130: {  	[sflag:s19] =	ssyncadd.s32 $0xFFFFF800  }
0x131: {  	[spmem:s2] =	stream.indirect.scatter.add.f32 [tilespmem:s17], [sflag:$0x3], $0x80, s30, s14, $0xb8;
	[tilespmem:$0x1F700] =	vst v63  }
0x132: {  	_ =	swait.ge [sflag:s11], $0x800  }
0x133: {  	[sflag:s11] =	ssyncset.done $0x0  }
0x134: {  	[sflag:s11] =	ssyncadd.s32 $0xFFFFF800  }
0x135: {  	[tilespmem:s17], [sflag:$0x2] =	stream.indirect.gather [spmem:s0], $0x80, s31, s14, $0xb8;
	[tilespmem:$0x1F700] =	vst v63  }
0x136: {  	_ =	swait.ge [sflag:s18], $0x800  }
0x137: {  	[sflag:s18] =	ssyncset.done $0x0  }
0x138: {  	[sflag:s18] =	ssyncadd.s32 $0xFFFFF800  }
0x139: {  	[spmem:s2] =	stream.indirect.scatter.add.f32 [tilespmem:s15], [sflag:$0x3], $0x80, s1, s14, $0xb8;
	[tilespmem:$0x1F700] =	vst v63  }
0x13a: {  	_ =	swait.ge [sflag:s11], $0x800  }
0x13b: {  	[sflag:s11] =	ssyncset.done $0x0  }
0x13c: {  	[sflag:s11] =	ssyncadd.s32 $0xFFFFF800  }
0x13d: {  	[tilespmem:s15], [sflag:$0x1] =	stream.indirect.gather [spmem:s0], $0x80, s12, s14, $0xb8;
	[tilespmem:$0x1F700] =	vst v63  }
0x13e: {  	_ =	swait.ge [sflag:s19], $0x800  }
0x13f: {  	[sflag:s19] =	ssyncset.done $0x0  }
0x140: {  	[sflag:s19] =	ssyncadd.s32 $0xFFFFF800  }
0x141: {  	[spmem:s2] =	stream.indirect.scatter.add.f32 [tilespmem:s17], [sflag:$0x3], $0x80, s13, s14, $0xb8;
	[tilespmem:$0x1F700] =	vst v63  }
0x142: {  	_ =	swait.ge [sflag:s11], $0x800  }
0x143: {  	[sflag:s11] =	ssyncset.done $0x0  }
0x144: {  	[sflag:s11] =	ssyncadd.s32 $0xFFFFF800  }
0x145: {  	[tilespmem:s17], [sflag:$0x2] =	stream.indirect.gather [spmem:s0], $0x80, s5, s14, $0xb8;
	[tilespmem:$0x1F700] =	vst v63  }
0x146: {  	_ =	swait.ge [sflag:s18], $0x800  }
0x147: {  	[sflag:s18] =	ssyncset.done $0x0  }
0x148: {  	[sflag:s18] =	ssyncadd.s32 $0xFFFFF800  }
0x149: {  	[spmem:s2] =	stream.indirect.scatter.add.f32 [tilespmem:s15], [sflag:$0x3], $0x80, s8, s14, $0xb8;
	[tilespmem:$0x1F700] =	vst v63  }
0x14a: {  	_ =	swait.ge [sflag:s11], $0x800  }
0x14b: {  	[sflag:s11] =	ssyncset.done $0x0  }
0x14c: {  	[sflag:s11] =	ssyncadd.s32 $0xFFFFF800  }
0x14d: {  	p3 =	sne.s32 s4, $0x4E00;
	_ =	swait.ge [sflag:s19], $0x800  }
.Ltmp3:
0x14e: {  	[sflag:s19] =	ssyncset.done $0x0;
	(pc) =	sbr.rel @p3 .LBB2_6-.Ltmp3, $4  }
0x14f: {  	[sflag:s19] =	ssyncadd.s32 $0xFFFFF800  }
0x150: {  	[spmem:s2] =	stream.indirect.scatter.add.f32 [tilespmem:s17], [sflag:$0x3], $0x80, s9, s14, $0xb8;
	[tilespmem:$0x1F700] =	vst v63  }
0x151: {  	_ =	swait.ge [sflag:s11], $0x800  }
0x152: {  	s4 =	sadd.s32 $0x100, s4;
	s6 =	rddreg [dreg:$0x6];
	[sflag:s11] =	ssyncset.done $0x0  }
0x153: {  	[sflag:s11] =	ssyncadd.s32 $0xFFFFF800;
	s4 =	sadd.s32 s7, s6  }
0x154: {  	[tilespmem:s3], [sflag:$0x3] =	stream.linear.gather [hbm4b:s4+s3], $0x800, $0x38;
	[tilespmem:$0x1F700] =	vst v63  }
0x155: {  	_ =	swait.ge [sflag:s11], $0x800  }
0x156: {  	[sflag:s11] =	ssyncset.done $0x0  }
0x157: {  	s6 =	rddreg [dreg:$0x5];
	[sflag:s11] =	ssyncadd.s32 $0xFFFFF800  }
0x158: {  	[tilespmem:s15], [sflag:$0x1] =	stream.indirect.gather [spmem:s0], $0x80, s3, s14, $0xb8;
	[tilespmem:$0x1F700] =	vst v63  }
0x159: {  	s4 =	sadd.s32 s7, s6  }
0x15a: {  	[tilespmem:s16], [sflag:$0x3] =	stream.linear.gather [hbm4b:s4+s3], $0x800, $0x38;
	[tilespmem:$0x1F700] =	vst v63  }
0x15b: {  	_ =	swait.ge [sflag:s11], $0x800  }
0x15c: {  	[sflag:s11] =	ssyncset.done $0x0  }
0x15d: {  	s10 =	rddreg [dreg:$0x7];
	[sflag:s11] =	ssyncadd.s32 $0xFFFFF800  }
0x15e: {  	[tilespmem:s17], [sflag:$0x2] =	stream.indirect.gather [spmem:s0], $0x80, s10, s14, $0xb8;
	[tilespmem:$0x1F700] =	vst v63  }
0x15f: {  	_ =	swait.ge [sflag:s18], $0x800  }
0x160: {  	[sflag:s18] =	ssyncset.done $0x0  }
0x161: {  	[sflag:s18] =	ssyncadd.s32 $0xFFFFF800  }
0x162: {  	[spmem:s2] =	stream.indirect.scatter.add.f32 [tilespmem:s15], [sflag:$0x3], $0x80, s16, s14, $0xb8;
	[tilespmem:$0x1F700] =	vst v63  }
0x163: {  	_ =	swait.ge [sflag:s11], $0x800  }
0x164: {  	[sflag:s11] =	ssyncset.done $0x0  }
0x165: {  	s6 =	rddreg [dreg:$0x8];
	[sflag:s11] =	ssyncadd.s32 $0xFFFFF800  }
0x166: {  	[tilespmem:s15], [sflag:$0x1] =	stream.indirect.gather [spmem:s0], $0x80, s6, s14, $0xb8;
	[tilespmem:$0x1F700] =	vst v63  }
0x167: {  	_ =	swait.ge [sflag:s19], $0x800  }
0x168: {  	[sflag:s19] =	ssyncset.done $0x0  }
0x169: {  	s7 =	rddreg [dreg:$0x9];
	[sflag:s19] =	ssyncadd.s32 $0xFFFFF800  }
0x16a: {  	[spmem:s2] =	stream.indirect.scatter.add.f32 [tilespmem:s17], [sflag:$0x3], $0x80, s7, s14, $0xb8;
	[tilespmem:$0x1F700] =	vst v63  }
0x16b: {  	_ =	swait.ge [sflag:s11], $0x800  }
0x16c: {  	[sflag:s11] =	ssyncset.done $0x0  }
0x16d: {  	s10 =	rddreg [dreg:$0xa];
	[sflag:s11] =	ssyncadd.s32 $0xFFFFF800  }
0x16e: {  	[tilespmem:s17], [sflag:$0x2] =	stream.indirect.gather [spmem:s0], $0x80, s10, s14, $0xb8;
	[tilespmem:$0x1F700] =	vst v63  }
0x16f: {  	_ =	swait.ge [sflag:s18], $0x800  }
0x170: {  	[sflag:s18] =	ssyncset.done $0x0  }
0x171: {  	s6 =	rddreg [dreg:$0xb];
	[sflag:s18] =	ssyncadd.s32 $0xFFFFF800  }
0x172: {  	[spmem:s2] =	stream.indirect.scatter.add.f32 [tilespmem:s15], [sflag:$0x3], $0x80, s6, s14, $0xb8;
	[tilespmem:$0x1F700] =	vst v63  }
0x173: {  	_ =	swait.ge [sflag:s11], $0x800  }
0x174: {  	[sflag:s11] =	ssyncset.done $0x0  }
0x175: {  	s7 =	rddreg [dreg:$0xc];
	[sflag:s11] =	ssyncadd.s32 $0xFFFFF800  }
0x176: {  	[tilespmem:s15], [sflag:$0x1] =	stream.indirect.gather [spmem:s0], $0x80, s7, s14, $0xb8;
	[tilespmem:$0x1F700] =	vst v63  }
0x177: {  	_ =	swait.ge [sflag:s19], $0x800  }
0x178: {  	[sflag:s19] =	ssyncset.done $0x0  }
0x179: {  	s10 =	rddreg [dreg:$0xd];
	[sflag:s19] =	ssyncadd.s32 $0xFFFFF800  }
0x17a: {  	[spmem:s2] =	stream.indirect.scatter.add.f32 [tilespmem:s17], [sflag:$0x3], $0x80, s10, s14, $0xb8;
	[tilespmem:$0x1F700] =	vst v63  }
0x17b: {  	_ =	swait.ge [sflag:s11], $0x800  }
0x17c: {  	[sflag:s11] =	ssyncset.done $0x0  }
0x17d: {  	s6 =	rddreg [dreg:$0xe];
	[sflag:s11] =	ssyncadd.s32 $0xFFFFF800  }
0x17e: {  	[tilespmem:s17], [sflag:$0x2] =	stream.indirect.gather [spmem:s0], $0x80, s6, s14, $0xb8;
	[tilespmem:$0x1F700] =	vst v63  }
0x17f: {  	_ =	swait.ge [sflag:s18], $0x800  }
0x180: {  	[sflag:s18] =	ssyncset.done $0x0  }
0x181: {  	s7 =	rddreg [dreg:$0xf];
	[sflag:s18] =	ssyncadd.s32 $0xFFFFF800  }
0x182: {  	[spmem:s2] =	stream.indirect.scatter.add.f32 [tilespmem:s15], [sflag:$0x3], $0x80, s7, s14, $0xb8;
	[tilespmem:$0x1F700] =	vst v63  }
0x183: {  	_ =	swait.ge [sflag:s11], $0x800  }
0x184: {  	[sflag:s11] =	ssyncset.done $0x0  }
0x185: {  	s10 =	rddreg [dreg:$0x10];
	[sflag:s11] =	ssyncadd.s32 $0xFFFFF800  }
0x186: {  	[tilespmem:s15], [sflag:$0x1] =	stream.indirect.gather [spmem:s0], $0x80, s10, s14, $0xb8;
	[tilespmem:$0x1F700] =	vst v63  }
0x187: {  	_ =	swait.ge [sflag:s19], $0x800  }
0x188: {  	[sflag:s19] =	ssyncset.done $0x0  }
0x189: {  	s6 =	rddreg [dreg:$0x11];
	[sflag:s19] =	ssyncadd.s32 $0xFFFFF800  }
0x18a: {  	[spmem:s2] =	stream.indirect.scatter.add.f32 [tilespmem:s17], [sflag:$0x3], $0x80, s6, s14, $0xb8;
	[tilespmem:$0x1F700] =	vst v63  }
0x18b: {  	_ =	swait.ge [sflag:s11], $0x800  }
0x18c: {  	[sflag:s11] =	ssyncset.done $0x0  }
0x18d: {  	s7 =	rddreg [dreg:$0x12];
	[sflag:s11] =	ssyncadd.s32 $0xFFFFF800  }
0x18e: {  	[tilespmem:s17], [sflag:$0x2] =	stream.indirect.gather [spmem:s0], $0x80, s7, s14, $0xb8;
	[tilespmem:$0x1F700] =	vst v63  }
0x18f: {  	_ =	swait.ge [sflag:s18], $0x800  }
0x190: {  	[sflag:s18] =	ssyncset.done $0x0  }
0x191: {  	s10 =	rddreg [dreg:$0x13];
	[sflag:s18] =	ssyncadd.s32 $0xFFFFF800  }
0x192: {  	[spmem:s2] =	stream.indirect.scatter.add.f32 [tilespmem:s15], [sflag:$0x3], $0x80, s10, s14, $0xb8;
	[tilespmem:$0x1F700] =	vst v63  }
0x193: {  	_ =	swait.ge [sflag:s11], $0x800  }
0x194: {  	[sflag:s11] =	ssyncset.done $0x0  }
0x195: {  	[sflag:s11] =	ssyncadd.s32 $0xFFFFF800  }
0x196: {  	[tilespmem:s15], [sflag:$0x1] =	stream.indirect.gather [spmem:s0], $0x80, s20, s14, $0xb8;
	[tilespmem:$0x1F700] =	vst v63  }
0x197: {  	_ =	swait.ge [sflag:s19], $0x800  }
0x198: {  	[sflag:s19] =	ssyncset.done $0x0  }
0x199: {  	[sflag:s19] =	ssyncadd.s32 $0xFFFFF800  }
0x19a: {  	[spmem:s2] =	stream.indirect.scatter.add.f32 [tilespmem:s17], [sflag:$0x3], $0x80, s21, s14, $0xb8;
	[tilespmem:$0x1F700] =	vst v63  }
0x19b: {  	_ =	swait.ge [sflag:s11], $0x800  }
0x19c: {  	[sflag:s11] =	ssyncset.done $0x0  }
0x19d: {  	[sflag:s11] =	ssyncadd.s32 $0xFFFFF800  }
0x19e: {  	[tilespmem:s17], [sflag:$0x2] =	stream.indirect.gather [spmem:s0], $0x80, s22, s14, $0xb8;
	[tilespmem:$0x1F700] =	vst v63  }
0x19f: {  	_ =	swait.ge [sflag:s18], $0x800  }
0x1a0: {  	[sflag:s18] =	ssyncset.done $0x0  }
0x1a1: {  	[sflag:s18] =	ssyncadd.s32 $0xFFFFF800  }
0x1a2: {  	[spmem:s2] =	stream.indirect.scatter.add.f32 [tilespmem:s15], [sflag:$0x3], $0x80, s23, s14, $0xb8;
	[tilespmem:$0x1F700] =	vst v63  }
0x1a3: {  	_ =	swait.ge [sflag:s11], $0x800  }
0x1a4: {  	[sflag:s11] =	ssyncset.done $0x0  }
0x1a5: {  	[sflag:s11] =	ssyncadd.s32 $0xFFFFF800  }
0x1a6: {  	[tilespmem:s15], [sflag:$0x1] =	stream.indirect.gather [spmem:s0], $0x80, s24, s14, $0xb8;
	[tilespmem:$0x1F700] =	vst v63  }
0x1a7: {  	_ =	swait.ge [sflag:s19], $0x800  }
0x1a8: {  	[sflag:s19] =	ssyncset.done $0x0  }
0x1a9: {  	[sflag:s19] =	ssyncadd.s32 $0xFFFFF800  }
0x1aa: {  	[spmem:s2] =	stream.indirect.scatter.add.f32 [tilespmem:s17], [sflag:$0x3], $0x80, s25, s14, $0xb8;
	[tilespmem:$0x1F700] =	vst v63  }
0x1ab: {  	_ =	swait.ge [sflag:s11], $0x800  }
0x1ac: {  	[sflag:s11] =	ssyncset.done $0x0  }
0x1ad: {  	[sflag:s11] =	ssyncadd.s32 $0xFFFFF800  }
0x1ae: {  	[tilespmem:s17], [sflag:$0x2] =	stream.indirect.gather [spmem:s0], $0x80, s26, s14, $0xb8;
	[tilespmem:$0x1F700] =	vst v63  }
0x1af: {  	_ =	swait.ge [sflag:s18], $0x800  }
0x1b0: {  	[sflag:s18] =	ssyncset.done $0x0  }
0x1b1: {  	[sflag:s18] =	ssyncadd.s32 $0xFFFFF800  }
0x1b2: {  	[spmem:s2] =	stream.indirect.scatter.add.f32 [tilespmem:s15], [sflag:$0x3], $0x80, s28, s14, $0xb8;
	[tilespmem:$0x1F700] =	vst v63  }
0x1b3: {  	_ =	swait.ge [sflag:s11], $0x800  }
0x1b4: {  	[sflag:s11] =	ssyncset.done $0x0  }
0x1b5: {  	[sflag:s11] =	ssyncadd.s32 $0xFFFFF800  }
0x1b6: {  	[tilespmem:s15], [sflag:$0x1] =	stream.indirect.gather [spmem:s0], $0x80, s29, s14, $0xb8;
	[tilespmem:$0x1F700] =	vst v63  }
0x1b7: {  	_ =	swait.ge [sflag:s19], $0x800  }
0x1b8: {  	[sflag:s19] =	ssyncset.done $0x0  }
0x1b9: {  	[sflag:s19] =	ssyncadd.s32 $0xFFFFF800  }
0x1ba: {  	[spmem:s2] =	stream.indirect.scatter.add.f32 [tilespmem:s17], [sflag:$0x3], $0x80, s30, s14, $0xb8;
	[tilespmem:$0x1F700] =	vst v63  }
0x1bb: {  	_ =	swait.ge [sflag:s11], $0x800  }
0x1bc: {  	[sflag:s11] =	ssyncset.done $0x0  }
0x1bd: {  	[sflag:s11] =	ssyncadd.s32 $0xFFFFF800  }
0x1be: {  	[tilespmem:s17], [sflag:$0x2] =	stream.indirect.gather [spmem:s0], $0x80, s31, s14, $0xb8;
	[tilespmem:$0x1F700] =	vst v63  }
0x1bf: {  	_ =	swait.ge [sflag:s18], $0x800  }
0x1c0: {  	[sflag:s18] =	ssyncset.done $0x0  }
0x1c1: {  	[sflag:s18] =	ssyncadd.s32 $0xFFFFF800  }
0x1c2: {  	[spmem:s2] =	stream.indirect.scatter.add.f32 [tilespmem:s15], [sflag:$0x3], $0x80, s1, s14, $0xb8;
	[tilespmem:$0x1F700] =	vst v63  }
0x1c3: {  	_ =	swait.ge [sflag:s11], $0x800  }
0x1c4: {  	[sflag:s11] =	ssyncset.done $0x0  }
0x1c5: {  	[sflag:s11] =	ssyncadd.s32 $0xFFFFF800  }
0x1c6: {  	[tilespmem:s15], [sflag:$0x1] =	stream.indirect.gather [spmem:s0], $0x80, s12, s14, $0xb8;
	[tilespmem:$0x1F700] =	vst v63  }
0x1c7: {  	_ =	swait.ge [sflag:s19], $0x800  }
0x1c8: {  	[sflag:s19] =	ssyncset.done $0x0  }
0x1c9: {  	[sflag:s19] =	ssyncadd.s32 $0xFFFFF800  }
0x1ca: {  	[spmem:s2] =	stream.indirect.scatter.add.f32 [tilespmem:s17], [sflag:$0x3], $0x80, s13, s14, $0xb8;
	[tilespmem:$0x1F700] =	vst v63  }
0x1cb: {  	_ =	swait.ge [sflag:s11], $0x800  }
0x1cc: {  	[sflag:s11] =	ssyncset.done $0x0  }
0x1cd: {  	[sflag:s11] =	ssyncadd.s32 $0xFFFFF800  }
0x1ce: {  	[tilespmem:s17], [sflag:$0x2] =	stream.indirect.gather [spmem:s0], $0x80, s5, s14, $0xb8;
	[tilespmem:$0x1F700] =	vst v63  }
0x1cf: {  	_ =	swait.ge [sflag:s18], $0x800  }
0x1d0: {  	[sflag:s18] =	ssyncset.done $0x0  }
0x1d1: {  	[sflag:s18] =	ssyncadd.s32 $0xFFFFF800  }
0x1d2: {  	[spmem:s2] =	stream.indirect.scatter.add.f32 [tilespmem:s15], [sflag:$0x3], $0x80, s8, s14, $0xb8;
	[tilespmem:$0x1F700] =	vst v63  }
0x1d3: {  	_ =	swait.ge [sflag:s11], $0x800  }
0x1d4: {  	[sflag:s11] =	ssyncset.done $0x0  }
0x1d5: {  	[sflag:s11] =	ssyncadd.s32 $0xFFFFF800  }
0x1d6: {  	_ =	swait.ge [sflag:s19], $0x800  }
0x1d7: {  	[sflag:s19] =	ssyncset.done $0x0  }
0x1d8: {  	[sflag:s19] =	ssyncadd.s32 $0xFFFFF800  }
0x1d9: {  	[spmem:s2] =	stream.indirect.scatter.add.f32 [tilespmem:s17], [sflag:$0x3], $0x80, s9, s14, $0xb8;
	[tilespmem:$0x1F700] =	vst v63  }
0x1da: {  	_ =	swait.ge [sflag:s11], $0x800  }
0x1db: {  	[sflag:s11] =	ssyncset.done $0x0  }
0x1dc: {  	[sflag:s11] =	ssyncadd.s32 $0xFFFFF800  }
0x1dd: {  	[bflag:$0x0] =	sbarrier.arrive $0xFFFF  }
0x1de: {  	s4 =	rddreg [dreg:$0x17]  }
0x1df: {  	s6 =	rddreg [dreg:$0x16]  }
0x1e0: {  	s7 =	rddreg [dreg:$0x18];
	s4 =	sshrl.u32 @p2 s4, $0x3  }
0x1e1: {  	[hbm:s7], [sflag:s6] =	dma.local @p2 [spmem:s4], $0x2780  }
0x1e2: {  	s4 =	simm.s32 @p2 $0x3  }
0x1e3: {  	_ =	swait.ge @p2 [sflag:s4], $0x2780  }
0x1e4: {  	s10 =	rddreg [dreg:$0x1d]  }
0x1e5: {  	s7 =	rddreg [dreg:$0x19];
	s10 =	sadd.s32 $0x1, s10  }
0x1e6: {  	p3 =	sne.s32 s10, s7  }
.Ltmp4:
0x1e7: {  	_ = 	snop;
	(pc) =	sbr.rel @p3 .LBB2_1-.Ltmp4, $3  }
0x1e8: {  	_ =	sdelay $0x1  }
0x1e9: {  	[sflag:s4] =	ssyncset.done @p2 $0x0  }
0x1ea: {  	[sflag:s4] =	ssyncadd.s32 @p2 $0xFFFFD880  }
0x1eb: {  	_ =	sfence.sel $0x180000  }
0x1ec: {  	[bflag:$0x0] =	sbarrier.arrive $0xFFFF  }
0x1ed: {  	_ =	strace $0x90000047  }
0x1ee: {  	[bflag:$0x2] =	sbarrier.arrive $0xFFFF  }
0x1ef: {  	s0 =	rddreg [dreg:$0x4]  }
0x1f0: {  	s0 =	sadd.s32 @!p0 $0x100000, s0  }
0x1f1: {  	[sflag:s0] =	ssyncadd.tile.s32 @!p0 $0x1;
	_ =	shalt  }
.Lfunc_end2:
_tile_overlayer_lowered:
.L_overlay_start_2:
0x1f2: {  	(tag) =	ssettag $0x2  }
0x1f3: {  	s0 =	rddreg [dreg:$0x0];
	s2 =	stileid.u32  }
0x1f4: {  	s1 =	rddreg [dreg:$0x1];
	p0 =	sne.s32 s2, $0x0  }
0x1f5: {  	s3 =	rddreg [dreg:$0x2];
	[bflag:$0x3] =	sbarrier.arrive $0xFFFF;
	s2 =	simm.s32 @!p0 $0x1C03  }
0x1f6: {  	[timem:s3], [sflag:s2] =	dma.local @!p0 [hbm:s0], s1  }
0x1f7: {  	s0 =	simm.s32 @!p0 $0x3  }
0x1f8: {  	_ =	swait.ge @!p0 [sflag:s0], s1  }
0x1f9: {  	s1 =	ssub.s32 @!p0 $0x0, s1;
	[sflag:s0] =	ssyncset.done @!p0 $0x0  }
0x1fa: {  	[sflag:s0] =	ssyncadd.s32 @!p0 s1  }
0x1fb: {  	[bflag:$0x3] =	sbarrier.arrive $0xFFFF  }
0x1fc: {  	_ =	shalt  }

// kernel: kernel.9.cloned.1.call-start
scs
__scs_entry_jumppad:
0x0: {  	(pc) =	sbr.rel $0x88, $3  }
0x1: {  	(tag) =	ssettag $0x0;
	lr =	simm.s32 $0x1  }
0x2: {  	[smem:$0x3F9B] =	sst lr;
	_ =	strace $0xD0000000  }
0x3: {  	_ = 	snop  }
0x4: {  	_ = 	snop  }
0x5: {  	_ = 	snop  }
0x6: {  	_ = 	snop  }
0x7: {  	_ = 	snop  }
__scs_overlays_trampoline_lowered:
0x8: {  	[smem:$0x3FAA] =	sst s0  }
0x9: {  	[smem:$0x3FAB] =	sst s1  }
0xa: {  	[smem:$0x3FAC] =	sst s2  }
0xb: {  	[smem:$0x3FAD] =	sst s3  }
0xc: {  	[smem:$0x3FAE] =	sst s4  }
0xd: {  	[smem:$0x3FAF] =	sst s5  }
0xe: {  	[smem:$0x3FB0] =	sst s6  }
0xf: {  	[smem:$0x3FB1] =	sst s7  }
0x10: {  	[smem:$0x3FB2] =	sst s8  }
0x11: {  	[smem:$0x3FB3] =	sst s9;
	s0 =	simm.s32 @!p0 $0x0  }
0x12: {  	s1 =	sld [smem:$0x3F99];
	s0 =	simm.s32 @p0 $0x1  }
0x13: {  	[smem:$0x3FB4] =	sst s0;
	s0 =	simm.s32 @!p1 $0x0  }
0x14: {  	s2 =	sld [smem:$0x3F98];
	s0 =	simm.s32 @p1 $0x1  }
0x15: {  	[smem:$0x3FB5] =	sst s0;
	s0 =	simm.s32 @!p2 $0x0  }
0x16: {  	s3 =	sld [smem:$0x3FDB];
	s0 =	simm.s32 @p2 $0x1  }
0x17: {  	s4 =	simm.s32 $0x1BF5;
	[smem:$0x3FB7] =	sst s0  }
0x18: {  	s0 =	sld [smem:$0x3F9A];
	_ =	swait.ge [sflag:s4], $0x0  }
0x19: {  	s7 =	sld [smem:$0x3F9B]  }
0x1a: {  	s8 =	sadd.s32 $0xFFFFE003, lr  }
0x1b: {  	s9 =	sadd.s32 $0xFFFFFEF7, lr;
	s5 =	simm.s32 $0xFFFFFFFF;
	p2 =	slt.u32 s8, $0xFFFFF086  }
0x1c: {  	p1 =	slt.u32 s9, $0xF7A;
	s5 =	simm.s32 @!p2 $0x0  }
0x1d: {  	s5 =	simm.s32 @p1 $0x1;
	p0 =	seq.s32 s7, s2  }
0x1e: {  	s7 =	smul.u32 @!p0 $0xF7A, s2;
	p2 =	seq.s32 @!p0 s5, $0x0  }
0x1f: {  	s9 =	smul.u32 $0xF7A, s1;
	s8 =	simm.s32 @!p0 $0x1BF5;
	p2 =	por !p2, p0  }
0x20: {  	[sflag:s8] =	ssyncset.s32 @!p0 $0xFFFFF086;
	s6 =	sadd.s32 @!p0 s3, s7;
	s7 =	simm.s32 @!p0 $0x108  }
0x21: {  	s3 =	sadd.s32 s3, s9;
	s6 =	sadd.s32 @!p0 $0x88, s6;
	s7 =	simm.s32 @p2 $0x1082  }
0x22: {  	[simem:s7], [sflag:s8] =	dma.local @!p0 [hbm:s6], $0xF7A  }
0x23: {  	s9 =	sor.u32 $0xD0000000, s2;
	s6 =	simm.s32 $0x108;
	_ =	swait.ge @!p0 [sflag:s8], $0x0  }
0x24: {  	s3 =	sadd.s32 $0x88, s3;
	s6 =	simm.s32 @!p1 $0x1082;
	[sflag:s4] =	ssyncset.s32 $0xFFFFF086  }
0x25: {  	[simem:s6], [sflag:s4] =	dma.local [hbm:s3], $0xF7A  }
0x26: {  	[smem:$0x3F9B] =	sst s1;
	(tag) =	ssettag s2;
	_ =	strace s9  }
0x27: {  	s1 =	sld [smem:$0x3FAB]  }
0x28: {  	s2 =	sld [smem:$0x3FAC]  }
0x29: {  	s4 =	sld [smem:$0x3FAE]  }
0x2a: {  	p0 =	seq.s32 s5, $0x0;
	s5 =	sld [smem:$0x3FAF]  }
0x2b: {  	s6 =	sld [smem:$0x3FB0]  }
0x2c: {  	s7 =	sld [smem:$0x3FB1]  }
0x2d: {  	s3 =	simm.s32 $0x108;
	s8 =	sld [smem:$0x3FB2]  }
0x2e: {  	s3 =	simm.s32 @!p0 $0x1082;
	s9 =	sld [smem:$0x3FB3]  }
0x2f: {  	lr =	sadd.s32 s0, s3;
	s0 =	sld [smem:$0x3FAA]  }
0x30: {  	s3 =	sld [smem:$0x3FAD]  }
0x31: {  	[smem:$0x3FB6] =	sst s10  }
0x32: {  	s10 =	sld [smem:$0x3FB4];
	_ =	sdelay $0x3  }
0x33: {  	p0 =	seq.s32 s10, $0x1;
	s10 =	sld [smem:$0x3FB6];
	_ =	sdelay $0x3  }
0x34: {  	[smem:$0x3FB6] =	sst s10  }
0x35: {  	s10 =	sld [smem:$0x3FB5];
	_ =	sdelay $0x3  }
0x36: {  	p1 =	seq.s32 s10, $0x1;
	s10 =	sld [smem:$0x3FB6];
	_ =	sdelay $0x3  }
0x37: {  	[smem:$0x3FB6] =	sst s10  }
0x38: {  	s10 =	sld [smem:$0x3FB7]  }
0x39: {  	_ = 	snop;
	(pc) =	sbr.ind lr, $3  }
0x3a: {  	_ = 	snop  }
0x3b: {  	_ = 	snop  }
0x3c: {  	p2 =	seq.s32 s10, $0x1;
	s10 =	sld [smem:$0x3FB6]  }
0x3d: {  	_ =	shalt  }
0x3e: {  	_ =	shalt  }
0x3f: {  	_ =	shalt  }
0x40: {  	_ =	shalt  }
0x41: {  	_ =	shalt  }
0x42: {  	_ =	shalt  }
0x43: {  	_ =	shalt  }
0x44: {  	_ =	shalt  }
0x45: {  	_ =	shalt  }
0x46: {  	_ =	shalt  }
0x47: {  	_ =	shalt  }
0x48: {  	_ =	shalt  }
0x49: {  	_ =	shalt  }
0x4a: {  	_ =	shalt  }
0x4b: {  	_ =	shalt  }
0x4c: {  	_ =	shalt  }
0x4d: {  	_ =	shalt  }
0x4e: {  	_ =	shalt  }
0x4f: {  	_ =	shalt  }
0x50: {  	_ =	shalt  }
0x51: {  	_ =	shalt  }
0x52: {  	_ =	shalt  }
0x53: {  	_ =	shalt  }
0x54: {  	_ =	shalt  }
0x55: {  	_ =	shalt  }
0x56: {  	_ =	shalt  }
0x57: {  	_ =	shalt  }
0x58: {  	_ =	shalt  }
0x59: {  	_ =	shalt  }
0x5a: {  	_ =	shalt  }
0x5b: {  	_ =	shalt  }
0x5c: {  	_ =	shalt  }
0x5d: {  	_ =	shalt  }
0x5e: {  	_ =	shalt  }
0x5f: {  	_ =	shalt  }
0x60: {  	_ =	shalt  }
0x61: {  	_ =	shalt  }
0x62: {  	_ =	shalt  }
0x63: {  	_ =	shalt  }
0x64: {  	_ =	shalt  }
0x65: {  	_ =	shalt  }
0x66: {  	_ =	shalt  }
0x67: {  	_ =	shalt  }
0x68: {  	_ =	shalt  }
0x69: {  	_ =	shalt  }
0x6a: {  	_ =	shalt  }
0x6b: {  	_ =	shalt  }
0x6c: {  	_ =	shalt  }
0x6d: {  	_ =	shalt  }
0x6e: {  	_ =	shalt  }
0x6f: {  	_ =	shalt  }
0x70: {  	_ =	shalt  }
0x71: {  	_ =	shalt  }
0x72: {  	_ =	shalt  }
0x73: {  	_ =	shalt  }
0x74: {  	_ =	shalt  }
0x75: {  	_ =	shalt  }
0x76: {  	_ =	shalt  }
0x77: {  	_ =	shalt  }
0x78: {  	_ =	shalt  }
0x79: {  	_ =	shalt  }
0x7a: {  	_ =	shalt  }
0x7b: {  	_ =	shalt  }
0x7c: {  	_ =	shalt  }
0x7d: {  	_ =	shalt  }
0x7e: {  	_ =	shalt  }
0x7f: {  	_ =	shalt  }
0x80: {  	_ =	shalt  }
0x81: {  	_ =	shalt  }
0x82: {  	_ =	shalt  }
0x83: {  	_ =	shalt  }
0x84: {  	_ =	shalt  }
0x85: {  	_ =	shalt  }
0x86: {  	_ =	shalt  }
0x87: {  	_ =	shalt  }
.Lfunc_end0:
.L_simem_size_0:
called_computation.1_lowered:
.L_overlay_start_0:
0x88: {  	s2 =	sld [smem:$0x3FD9]  }
0x89: {  	s3 =	sld [smem:$0x3FFE];
	_ =	sdelay $0x1  }
0x8a: {  	s1 =	srdreg.scid  }
0x8b: {  	s0 =	sand.u32 $0x1, s1  }
0x8c: {  	s17 =	sshll.u32 s0, $0xA;
	s2 =	sadd.s32 s3, s2  }
0x8d: {  	s2 =	sadd.s32 s2, s17  }
0x8e: {  	[smem:$0x3FC2] =	sst s2  }
0x8f: {  	_ = 	snop  }
0x90: {  	s2 =	sld [smem:$0x3FD0];
	(tm) =	ssettm $0x1  }
0x91: {  	s18 =	sld [smem:$0x3FFB];
	_ =	sdelay $0x3  }
0x92: {  	_ =	strace s18  }
0x93: {  	s3 =	sld [smem:$0x3FFC];
	_ =	sdelay $0x3  }
0x94: {  	_ =	strace s3  }
0x95: {  	s3 =	sld [smem:$0x3FFD];
	_ =	sdelay $0x3  }
0x96: {  	_ =	strace s3  }
0x97: {  	_ =	strace $0x8FFFFFFF  }
0x98: {  	s19 =	sld [smem:$0x3FDB];
	_ =	sdelay $0x1  }
0x99: {  	s4 =	simm.s32 $_scs_section_size  }
0x9a: {  	s5 =	simm.s32 $_size__tile_overlayer_lowered;
	s6 =	simm.s32 $_tile_overlayer_lowered  }
0x9b: {  	s22 =	simm.s32 $0x1BFF;
	s21 =	sshll.u32 s6, $0x1;
	s3 =	sadd.s32 s4, s19  }
0x9c: {  	s7 =	simm.s32 $0x0;
	s20 =	sshll.u32 s5, $0x1;
	s5 =	sadd.s32 s21, s3  }
0x9d: {  	[timem:s7], [sflag:s22] =	dma.local [hbm:s5], s20  }
0x9e: {  	_ =	swait.ge [sflag:s22], s20  }
0x9f: {  	s4 =	ssub.s32 $0x0, s20;
	[sflag:s22] =	ssyncset.done $0x0  }
0xa0: {  	[sflag:s22] =	ssyncadd.s32 s4;
	_ =	sdelay $0x1  }
0xa1: {  	s23 =	simm.s32 $0x1B8B  }
0xa2: {  	_ =	swait.ge [sflag:s23], $0x1  }
0xa3: {  	[sflag:s23] =	ssyncset.done $0x0  }
0xa4: {  	s25 =	simm.s32 $0x1B8E;
	s24 =	sld [smem:$0x3FFE];
	[sflag:s23] =	ssyncadd.s32 $0xFFFFFFFF  }
0xa5: {  	s26 =	simm.s32 $execute0_lowered;
	[smem:$0x3FD2] =	sst s25  }
0xa6: {  	s5 =	sshll.u32 s26, $0x1;
	_ =	strace $0x80000049;
	[dreg:$0x1] =	wrdreg $0xFFFFFFFF  }
0xa7: {  	s28 =	simm.s32 $_size_execute0_lowered;
	s3 =	sadd.s32 s3, s5;
	[dreg:$0x0] =	wrdreg $0x0  }
0xa8: {  	s5 =	sshll.u32 s28, $0x1;
	[dreg:$0x2] =	wrdreg s3  }
0xa9: {  	[dreg:$0x3] =	wrdreg s5  }
0xaa: {  	[dreg:$0x4] =	wrdreg $0xC0  }
0xab: {  	_ =	task [dreg:s7], $0x5FFFF  }
0xac: {  	[dreg:$0x1] =	wrdreg $0xFFFFFFFF  }
0xad: {  	[dreg:$0x0] =	wrdreg $0x60  }
0xae: {  	[dreg:$0x2] =	wrdreg s2  }
0xaf: {  	[dreg:$0x3] =	wrdreg s24  }
0xb0: {  	[dreg:$0x4] =	wrdreg $0x20000  }
0xb1: {  	[dreg:$0x5] =	wrdreg $0x159000  }
0xb2: {  	[dreg:$0x6] =	wrdreg $0x9  }
0xb3: {  	_ =	task.clear_ibuf [dreg:s7], $0x7FFFF;
	_ =	strace $0x90000049  }
0xb4: {  	s29 =	simm.s32 $0x9;
	_ =	strace $0x8000004B  }
0xb5: {  	_ =	swait.ge [sflag:s29], $0x1  }
0xb6: {  	[sflag:s29] =	ssyncadd.s32 $0xFFFFFFFF  }
0xb7: {  	_ =	strace $0x9000004B  }
0xb8: {  	_ =	sfence  }
0xb9: {  	s30 =	sld [smem:$0x0];
	_ =	sdelay $0x2  }
0xba: {  	s31 =	sshll.u32 s1, $0xD;
	s1 =	sshrl.u32 s1, $0x2  }
0xbb: {  	s3 =	sand.u32 $0x4000, s31;
	s1 =	sadd.s32 s1, s30  }
0xbc: {  	s0 =	sor.u32 s3, s0;
	s1 =	sshll.u32 s1, $0x11  }
0xbd: {  	s0 =	sor.u32 s1, s0  }
0xbe: {  	s0 =	sadd.s32 $0x8F2B, s0  }
0xbf: {  	[sflag:s0] =	ssyncadd.remote.s32 $0x1  }
0xc0: {  	_ =	sfence.sel $0xFFFF  }
0xc1: {  	[dreg:$0x0] =	wrdreg $0xFFFFFFFF;
	(pc) =	sbr.abs _section_cstart, $3  }
0xc2: {  	[dreg:$0x1] =	wrdreg $0xFFFFFFFF  }
0xc3: {  	_ =	task.clear_ibuf [dreg:s7], $0x2FFFF;
	_ =	strace $0x9FFFFFFF  }
0xc4: {  	(tm) =	ssettm $0x7FFFFFFF  }
0xc5: {  	_ =	shalt  }
tec
execute0_lowered:
.L_overlay_start_1:
0x0: {  	(tag) =	ssettag $0x1  }
0x1: {  	s4 =	rddreg [dreg:$0x0]  }
0x2: {  	s5 =	rddreg [dreg:$0x1]  }
0x3: {  	s0 =	rddreg [dreg:$0x2]  }
0x4: {  	s1 =	srdreg.scid;
	s2 =	rddreg [dreg:$0x3];
	s3 =	simm.s32 $0x0  }
0x5: {  	s12 =	simm.s32 $0x80;
	s13 =	simm.s32 $0x100;
	s14 =	simm.s32 $0x880  }
0x6: {  	s15 =	simm.s32 $0x180;
	s17 =	simm.s32 $0x900;
	s28 =	simm.s32 $0xD00  }
0x7: {  	s29 =	simm.s32 $0x600;
	s30 =	simm.s32 $0xD80;
	s6 =	sand.u32 $0x1, s1  }
0x8: {  	s31 =	simm.s32 $0x680;
	s1 =	stileid.u32;
	s7 =	smul.u32 $0x278000, s6  }
0x9: {  	[smem:$0x7FF] =	sst s3;
	s11 =	sadd.s32 $0x13E200, s5;
	s8 =	smul.u32 $0x27800, s1  }
0xa: {  	s9 =	smul.u32 $0x9E000, s6;
	_ =	strace $0x8000004A;
	[dreg:$0x14] =	wrdreg s11  }
0xb: {  	s25 =	sadd.s32 $0x138800, s0;
	s18 =	smul.u32 $0x13C00, s1;
	[dreg:$0x7] =	wrdreg s12  }
0xc: {  	s10 =	smul.u32 $0x278, s1;
	s6 =	ssub.s32 $0x2, s6;
	[dreg:$0x8] =	wrdreg s13  }
0xd: {  	s22 =	sshll.u32 s1, $0x6;
	s23 =	smul.u32 $0x4F000, s1;
	[dreg:$0x9] =	wrdreg s14  }
0xe: {  	p0 =	sne.s32 s1, $0x0;
	[dreg:$0xa] =	wrdreg s15;
	s11 =	simm.s32 $0x3  }
0xf: {  	[dreg:$0xb] =	wrdreg s17;
	s14 =	simm.s32 $0x10;
	s15 =	simm.s32 $0x1000  }
0x10: {  	s17 =	simm.s32 $0x1800;
	p1 =	sgt.u32 s1, $0x7;
	s1 =	simm.s32 $0xE00  }
0x11: {  	s12 =	simm.s32 $0x700;
	s13 =	simm.s32 $0xE80;
	s20 =	sshrl.u32 s6, $0x1  }
0x12: {  	s24 =	sor.u32 $0x1C03, s22;
	s22 =	simm.s32 $0xA00;
	s7 =	sadd.s32 s8, s7  }
0x13: {  	s8 =	sadd.s32 s18, s9;
	s19 =	smin.u32 s10, $0x2498;
	s6 =	ssub.s32 s6, s20  }
0x14: {  	s18 =	simm.s32 $0x200;
	[dreg:$0xf] =	wrdreg s22;
	s22 =	simm.s32 $0x480  }
0x15: {  	s10 =	sshll.u32 s19, $0x7;
	s6 =	smax.u32 s6, $0x1;
	[dreg:$0xc] =	wrdreg s18  }
0x16: {  	s9 =	sshll.u32 s19, $0x4;
	s19 =	simm.s32 $0x980;
	[dreg:$0x19] =	wrdreg s6  }
0x17: {  	s7 =	sshrl.u32 s7, $0x3;
	s4 =	sadd.s32 s4, s9;
	[dreg:$0xd] =	wrdreg s19  }
0x18: {  	s9 =	sshrl.u32 s23, $0x2;
	s23 =	simm.s32 $0x300;
	[dreg:$0x15] =	wrdreg s4  }
0x19: {  	s6 =	smov.u32 s24;
	s24 =	simm.s32 $0xA80;
	[dreg:$0x10] =	wrdreg s23  }
0x1a: {  	s8 =	sshrl.u32 s8, $0x3;
	s7 =	sadd.s32 s7, s5;
	[dreg:$0x11] =	wrdreg s24  }
0x1b: {  	s18 =	simm.s32 $0x1;
	s26 =	sadd.s32 $0x2200, s7;
	[dreg:$0x16] =	wrdreg s6  }
0x1c: {  	s5 =	sadd.s32 s8, s5;
	s7 =	sadd.s32 $0xA0200, s7;
	[dreg:$0x5] =	wrdreg s26  }
0x1d: {  	s21 =	sadd.s32 s10, s0;
	s5 =	sadd.s32 $0x140A00, s5;
	[dreg:$0x6] =	wrdreg s7  }
0x1e: {  	s19 =	simm.s32 $0x2;
	s16 =	sshrl.u32 s21, $0x3;
	[dreg:$0x18] =	wrdreg s5  }
0x1f: {  	s8 =	simm.s32 $0xF00;
	s4 =	sshrl.u32 s25, $0x3;
	[dreg:$0x1a] =	wrdreg s16  }
0x20: {  	s10 =	simm.s32 $0x0;
	s9 =	sadd.s32 s9, s2;
	[dreg:$0x1b] =	wrdreg s4  }
0x21: {  	s21 =	simm.s32 $0x280;
	s25 =	simm.s32 $0x380;
	[dreg:$0x17] =	wrdreg s9  }
0x22: {  	s23 =	simm.s32 $0xC00;
	s24 =	simm.s32 $0x500;
	[dreg:$0xe] =	wrdreg s21  }
0x23: {  	s20 =	sshrl.u32 s9, $0x3;
	s16 =	simm.s32 $0x800;
	[dreg:$0x12] =	wrdreg s25  }
0x24: {  	s26 =	simm.s32 $0xB00;
	s21 =	simm.s32 $0xB80;
	s25 =	simm.s32 $0xC80  }
0x25: {  	s5 =	simm.s32 $0x780;
	s9 =	simm.s32 $0xF80;
	[dreg:$0x1c] =	wrdreg s20  }
0x26: {  	[dreg:$0x13] =	wrdreg s26;
	s20 =	simm.s32 $0x400;
	s26 =	simm.s32 $0x580  }
.LBB2_1:
0x27: {  	s4 =	rddreg [dreg:$0x15]  }
.Ltmp0:
0x28: {  	s7 =	rddreg [dreg:$0x1a];
	(pc) =	sbr.rel @!p0 .LBB2_2-.Ltmp0, $4  }
0x29: {  	[spmem:s7], [sflag:s6] =	dma.local [hbm:s4], $0x2780  }
0x2a: {  	_ =	swait.ge [sflag:s11], $0x2780  }
0x2b: {  	[sflag:s11] =	ssyncset.done $0x0  }
0x2c: {  	[dreg:$0x1d] =	wrdreg s10;
	[sflag:s11] =	ssyncadd.s32 $0xFFFFD880  }
.Ltmp1:
0x2d: {  	(pc) =	sbr.rel @p1 .LBB2_5-.Ltmp1, $4  }
.Ltmp2:
0x2e: {  	(pc) =	sbr.rel @!p1 .LBB2_4-.Ltmp2, $4  }
0x2f: {  	_ = 	snop  }
0x30: {  	_ = 	snop  }
0x31: {  	p2 =	por $0x0, $0x0  }
0x32: {  	_ = 	snop  }
.LBB2_2:
0x33: {  	s4 =	rddreg [dreg:$0x14]  }
0x34: {  	s7 =	rddreg [dreg:$0x1b]  }
0x35: {  	[spmem:s7], [sflag:s6] =	dma.local [hbm:s4], $0x100  }
0x36: {  	_ =	swait.ge [sflag:s11], $0x100  }
0x37: {  	[sflag:s11] =	ssyncset.done $0x0  }
0x38: {  	[sflag:s11] =	ssyncadd.s32 $0xFFFFFF00  }
.LBB2_4:
0x39: {  	s4 =	rddreg [dreg:$0x14]  }
0x3a: {  	s7 =	rddreg [dreg:$0x1c]  }
0x3b: {  	[spmem:s7], [sflag:s6] =	dma.local [hbm:s4], $0x2780  }
0x3c: {  	_ =	swait.ge [sflag:s11], $0x2780  }
0x3d: {  	[sflag:s11] =	ssyncset.done $0x0  }
0x3e: {  	p2 =	por $0x1, $0x1;
	[sflag:s11] =	ssyncadd.s32 $0xFFFFD880  }
.LBB2_5:
0x3f: {  	[bflag:$0x0] =	sbarrier.arrive $0xFFFF  }
0x40: {  	s4 =	rddreg [dreg:$0x6]  }
0x41: {  	s4 =	sadd.s32 $0x0, s4  }
0x42: {  	[tilespmem:s3], [sflag:$0x3] =	stream.linear.gather [hbm4b:s4+s3], $0x800, $0x38;
	[tilespmem:$0x1F700] =	vst v63  }
0x43: {  	_ =	swait.ge [sflag:s11], $0x800  }
0x44: {  	[sflag:s11] =	ssyncset.done $0x0  }
0x45: {  	s7 =	rddreg [dreg:$0x5];
	[sflag:s11] =	ssyncadd.s32 $0xFFFFF800  }
0x46: {  	[tilespmem:s15], [sflag:$0x1] =	stream.indirect.gather [spmem:s0], $0x80, s3, s14, $0xb8;
	[tilespmem:$0x1F700] =	vst v63  }
0x47: {  	s4 =	sadd.s32 $0x0, s7  }
0x48: {  	[tilespmem:s16], [sflag:$0x3] =	stream.linear.gather [hbm4b:s4+s3], $0x800, $0x38;
	[tilespmem:$0x1F700] =	vst v63  }
0x49: {  	_ =	swait.ge [sflag:s11], $0x800  }
0x4a: {  	[sflag:s11] =	ssyncset.done $0x0  }
0x4b: {  	s10 =	rddreg [dreg:$0x7];
	[sflag:s11] =	ssyncadd.s32 $0xFFFFF800  }
0x4c: {  	[tilespmem:s17], [sflag:$0x2] =	stream.indirect.gather [spmem:s0], $0x80, s10, s14, $0xb8;
	[tilespmem:$0x1F700] =	vst v63  }
0x4d: {  	_ =	swait.ge [sflag:s18], $0x800  }
0x4e: {  	[sflag:s18] =	ssyncset.done $0x0  }
0x4f: {  	[sflag:s18] =	ssyncadd.s32 $0xFFFFF800  }
0x50: {  	[spmem:s2] =	stream.indirect.scatter.add.f32 [tilespmem:s15], [sflag:$0x3], $0x80, s16, s14, $0xb8;
	[tilespmem:$0x1F700] =	vst v63  }
0x51: {  	_ =	swait.ge [sflag:s11], $0x800  }
0x52: {  	[sflag:s11] =	ssyncset.done $0x0  }
0x53: {  	s6 =	rddreg [dreg:$0x8];
	[sflag:s11] =	ssyncadd.s32 $0xFFFFF800  }
0x54: {  	[tilespmem:s15], [sflag:$0x1] =	stream.indirect.gather [spmem:s0], $0x80, s6, s14, $0xb8;
	[tilespmem:$0x1F700] =	vst v63  }
0x55: {  	_ =	swait.ge [sflag:s19], $0x800  }
0x56: {  	[sflag:s19] =	ssyncset.done $0x0  }
0x57: {  	s7 =	rddreg [dreg:$0x9];
	[sflag:s19] =	ssyncadd.s32 $0xFFFFF800  }
0x58: {  	[spmem:s2] =	stream.indirect.scatter.add.f32 [tilespmem:s17], [sflag:$0x3], $0x80, s7, s14, $0xb8;
	[tilespmem:$0x1F700] =	vst v63  }
0x59: {  	_ =	swait.ge [sflag:s11], $0x800  }
0x5a: {  	[sflag:s11] =	ssyncset.done $0x0  }
0x5b: {  	s10 =	rddreg [dreg:$0xa];
	[sflag:s11] =	ssyncadd.s32 $0xFFFFF800  }
0x5c: {  	[tilespmem:s17], [sflag:$0x2] =	stream.indirect.gather [spmem:s0], $0x80, s10, s14, $0xb8;
	[tilespmem:$0x1F700] =	vst v63  }
0x5d: {  	_ =	swait.ge [sflag:s18], $0x800  }
0x5e: {  	[sflag:s18] =	ssyncset.done $0x0  }
0x5f: {  	s6 =	rddreg [dreg:$0xb];
	[sflag:s18] =	ssyncadd.s32 $0xFFFFF800  }
0x60: {  	[spmem:s2] =	stream.indirect.scatter.add.f32 [tilespmem:s15], [sflag:$0x3], $0x80, s6, s14, $0xb8;
	[tilespmem:$0x1F700] =	vst v63  }
0x61: {  	_ =	swait.ge [sflag:s11], $0x800  }
0x62: {  	[sflag:s11] =	ssyncset.done $0x0  }
0x63: {  	s7 =	rddreg [dreg:$0xc];
	[sflag:s11] =	ssyncadd.s32 $0xFFFFF800  }
0x64: {  	[tilespmem:s15], [sflag:$0x1] =	stream.indirect.gather [spmem:s0], $0x80, s7, s14, $0xb8;
	[tilespmem:$0x1F700] =	vst v63  }
0x65: {  	_ =	swait.ge [sflag:s19], $0x800  }
0x66: {  	[sflag:s19] =	ssyncset.done $0x0  }
0x67: {  	s10 =	rddreg [dreg:$0xd];
	[sflag:s19] =	ssyncadd.s32 $0xFFFFF800  }
0x68: {  	[spmem:s2] =	stream.indirect.scatter.add.f32 [tilespmem:s17], [sflag:$0x3], $0x80, s10, s14, $0xb8;
	[tilespmem:$0x1F700] =	vst v63  }
0x69: {  	_ =	swait.ge [sflag:s11], $0x800  }
0x6a: {  	[sflag:s11] =	ssyncset.done $0x0  }
0x6b: {  	s6 =	rddreg [dreg:$0xe];
	[sflag:s11] =	ssyncadd.s32 $0xFFFFF800  }
0x6c: {  	[tilespmem:s17], [sflag:$0x2] =	stream.indirect.gather [spmem:s0], $0x80, s6, s14, $0xb8;
	[tilespmem:$0x1F700] =	vst v63  }
0x6d: {  	_ =	swait.ge [sflag:s18], $0x800  }
0x6e: {  	[sflag:s18] =	ssyncset.done $0x0  }
0x6f: {  	s7 =	rddreg [dreg:$0xf];
	[sflag:s18] =	ssyncadd.s32 $0xFFFFF800  }
0x70: {  	[spmem:s2] =	stream.indirect.scatter.add.f32 [tilespmem:s15], [sflag:$0x3], $0x80, s7, s14, $0xb8;
	[tilespmem:$0x1F700] =	vst v63  }
0x71: {  	_ =	swait.ge [sflag:s11], $0x800  }
0x72: {  	[sflag:s11] =	ssyncset.done $0x0  }
0x73: {  	s10 =	rddreg [dreg:$0x10];
	[sflag:s11] =	ssyncadd.s32 $0xFFFFF800  }
0x74: {  	[tilespmem:s15], [sflag:$0x1] =	stream.indirect.gather [spmem:s0], $0x80, s10, s14, $0xb8;
	[tilespmem:$0x1F700] =	vst v63  }
0x75: {  	_ =	swait.ge [sflag:s19], $0x800  }
0x76: {  	[sflag:s19] =	ssyncset.done $0x0  }
0x77: {  	s6 =	rddreg [dreg:$0x11];
	[sflag:s19] =	ssyncadd.s32 $0xFFFFF800  }
0x78: {  	[spmem:s2] =	stream.indirect.scatter.add.f32 [tilespmem:s17], [sflag:$0x3], $0x80, s6, s14, $0xb8;
	[tilespmem:$0x1F700] =	vst v63  }
0x79: {  	_ =	swait.ge [sflag:s11], $0x800  }
0x7a: {  	[sflag:s11] =	ssyncset.done $0x0  }
0x7b: {  	s7 =	rddreg [dreg:$0x12];
	[sflag:s11] =	ssyncadd.s32 $0xFFFFF800  }
0x7c: {  	[tilespmem:s17], [sflag:$0x2] =	stream.indirect.gather [spmem:s0], $0x80, s7, s14, $0xb8;
	[tilespmem:$0x1F700] =	vst v63  }
0x7d: {  	_ =	swait.ge [sflag:s18], $0x800  }
0x7e: {  	[sflag:s18] =	ssyncset.done $0x0  }
0x7f: {  	s10 =	rddreg [dreg:$0x13];
	[sflag:s18] =	ssyncadd.s32 $0xFFFFF800  }
0x80: {  	[spmem:s2] =	stream.indirect.scatter.add.f32 [tilespmem:s15], [sflag:$0x3], $0x80, s10, s14, $0xb8;
	[tilespmem:$0x1F700] =	vst v63  }
0x81: {  	_ =	swait.ge [sflag:s11], $0x800  }
0x82: {  	[sflag:s11] =	ssyncset.done $0x0  }
0x83: {  	[sflag:s11] =	ssyncadd.s32 $0xFFFFF800  }
0x84: {  	[tilespmem:s15], [sflag:$0x1] =	stream.indirect.gather [spmem:s0], $0x80, s20, s14, $0xb8;
	[tilespmem:$0x1F700] =	vst v63  }
0x85: {  	_ =	swait.ge [sflag:s19], $0x800  }
0x86: {  	[sflag:s19] =	ssyncset.done $0x0  }
0x87: {  	[sflag:s19] =	ssyncadd.s32 $0xFFFFF800  }
0x88: {  	[spmem:s2] =	stream.indirect.scatter.add.f32 [tilespmem:s17], [sflag:$0x3], $0x80, s21, s14, $0xb8;
	[tilespmem:$0x1F700] =	vst v63  }
0x89: {  	_ =	swait.ge [sflag:s11], $0x800  }
0x8a: {  	[sflag:s11] =	ssyncset.done $0x0  }
0x8b: {  	[sflag:s11] =	ssyncadd.s32 $0xFFFFF800  }
0x8c: {  	[tilespmem:s17], [sflag:$0x2] =	stream.indirect.gather [spmem:s0], $0x80, s22, s14, $0xb8;
	[tilespmem:$0x1F700] =	vst v63  }
0x8d: {  	_ =	swait.ge [sflag:s18], $0x800  }
0x8e: {  	[sflag:s18] =	ssyncset.done $0x0  }
0x8f: {  	[sflag:s18] =	ssyncadd.s32 $0xFFFFF800  }
0x90: {  	[spmem:s2] =	stream.indirect.scatter.add.f32 [tilespmem:s15], [sflag:$0x3], $0x80, s23, s14, $0xb8;
	[tilespmem:$0x1F700] =	vst v63  }
0x91: {  	_ =	swait.ge [sflag:s11], $0x800  }
0x92: {  	[sflag:s11] =	ssyncset.done $0x0  }
0x93: {  	[sflag:s11] =	ssyncadd.s32 $0xFFFFF800  }
0x94: {  	[tilespmem:s15], [sflag:$0x1] =	stream.indirect.gather [spmem:s0], $0x80, s24, s14, $0xb8;
	[tilespmem:$0x1F700] =	vst v63  }
0x95: {  	_ =	swait.ge [sflag:s19], $0x800  }
0x96: {  	[sflag:s19] =	ssyncset.done $0x0  }
0x97: {  	[sflag:s19] =	ssyncadd.s32 $0xFFFFF800  }
0x98: {  	[spmem:s2] =	stream.indirect.scatter.add.f32 [tilespmem:s17], [sflag:$0x3], $0x80, s25, s14, $0xb8;
	[tilespmem:$0x1F700] =	vst v63  }
0x99: {  	_ =	swait.ge [sflag:s11], $0x800  }
0x9a: {  	[sflag:s11] =	ssyncset.done $0x0  }
0x9b: {  	[sflag:s11] =	ssyncadd.s32 $0xFFFFF800  }
0x9c: {  	[tilespmem:s17], [sflag:$0x2] =	stream.indirect.gather [spmem:s0], $0x80, s26, s14, $0xb8;
	[tilespmem:$0x1F700] =	vst v63  }
0x9d: {  	_ =	swait.ge [sflag:s18], $0x800  }
0x9e: {  	[sflag:s18] =	ssyncset.done $0x0  }
0x9f: {  	[sflag:s18] =	ssyncadd.s32 $0xFFFFF800  }
0xa0: {  	[spmem:s2] =	stream.indirect.scatter.add.f32 [tilespmem:s15], [sflag:$0x3], $0x80, s28, s14, $0xb8;
	[tilespmem:$0x1F700] =	vst v63  }
0xa1: {  	_ =	swait.ge [sflag:s11], $0x800  }
0xa2: {  	[sflag:s11] =	ssyncset.done $0x0  }
0xa3: {  	[sflag:s11] =	ssyncadd.s32 $0xFFFFF800  }
0xa4: {  	[tilespmem:s15], [sflag:$0x1] =	stream.indirect.gather [spmem:s0], $0x80, s29, s14, $0xb8;
	[tilespmem:$0x1F700] =	vst v63  }
0xa5: {  	_ =	swait.ge [sflag:s19], $0x800  }
0xa6: {  	[sflag:s19] =	ssyncset.done $0x0  }
0xa7: {  	[sflag:s19] =	ssyncadd.s32 $0xFFFFF800  }
0xa8: {  	[spmem:s2] =	stream.indirect.scatter.add.f32 [tilespmem:s17], [sflag:$0x3], $0x80, s30, s14, $0xb8;
	[tilespmem:$0x1F700] =	vst v63  }
0xa9: {  	_ =	swait.ge [sflag:s11], $0x800  }
0xaa: {  	[sflag:s11] =	ssyncset.done $0x0  }
0xab: {  	[sflag:s11] =	ssyncadd.s32 $0xFFFFF800  }
0xac: {  	[tilespmem:s17], [sflag:$0x2] =	stream.indirect.gather [spmem:s0], $0x80, s31, s14, $0xb8;
	[tilespmem:$0x1F700] =	vst v63  }
0xad: {  	_ =	swait.ge [sflag:s18], $0x800  }
0xae: {  	[sflag:s18] =	ssyncset.done $0x0  }
0xaf: {  	[sflag:s18] =	ssyncadd.s32 $0xFFFFF800  }
0xb0: {  	[spmem:s2] =	stream.indirect.scatter.add.f32 [tilespmem:s15], [sflag:$0x3], $0x80, s1, s14, $0xb8;
	[tilespmem:$0x1F700] =	vst v63  }
0xb1: {  	_ =	swait.ge [sflag:s11], $0x800  }
0xb2: {  	[sflag:s11] =	ssyncset.done $0x0  }
0xb3: {  	[sflag:s11] =	ssyncadd.s32 $0xFFFFF800  }
0xb4: {  	[tilespmem:s15], [sflag:$0x1] =	stream.indirect.gather [spmem:s0], $0x80, s12, s14, $0xb8;
	[tilespmem:$0x1F700] =	vst v63  }
0xb5: {  	_ =	swait.ge [sflag:s19], $0x800  }
0xb6: {  	[sflag:s19] =	ssyncset.done $0x0  }
0xb7: {  	[sflag:s19] =	ssyncadd.s32 $0xFFFFF800  }
0xb8: {  	[spmem:s2] =	stream.indirect.scatter.add.f32 [tilespmem:s17], [sflag:$0x3], $0x80, s13, s14, $0xb8;
	[tilespmem:$0x1F700] =	vst v63  }
0xb9: {  	_ =	swait.ge [sflag:s11], $0x800  }
0xba: {  	[sflag:s11] =	ssyncset.done $0x0  }
0xbb: {  	[sflag:s11] =	ssyncadd.s32 $0xFFFFF800  }
0xbc: {  	[tilespmem:s17], [sflag:$0x2] =	stream.indirect.gather [spmem:s0], $0x80, s5, s14, $0xb8;
	[tilespmem:$0x1F700] =	vst v63  }
0xbd: {  	_ =	swait.ge [sflag:s18], $0x800  }
0xbe: {  	[sflag:s18] =	ssyncset.done $0x0  }
0xbf: {  	[sflag:s18] =	ssyncadd.s32 $0xFFFFF800  }
0xc0: {  	[spmem:s2] =	stream.indirect.scatter.add.f32 [tilespmem:s15], [sflag:$0x3], $0x80, s8, s14, $0xb8;
	[tilespmem:$0x1F700] =	vst v63  }
0xc1: {  	_ =	swait.ge [sflag:s11], $0x800  }
0xc2: {  	[sflag:s11] =	ssyncset.done $0x0  }
0xc3: {  	[sflag:s11] =	ssyncadd.s32 $0xFFFFF800  }
0xc4: {  	_ =	swait.ge [sflag:s19], $0x800  }
0xc5: {  	[sflag:s19] =	ssyncset.done $0x0  }
0xc6: {  	[sflag:s19] =	ssyncadd.s32 $0xFFFFF800  }
0xc7: {  	[spmem:s2] =	stream.indirect.scatter.add.f32 [tilespmem:s17], [sflag:$0x3], $0x80, s9, s14, $0xb8;
	[tilespmem:$0x1F700] =	vst v63  }
0xc8: {  	s4 =	simm.s32 $0x200;
	_ =	swait.ge [sflag:s11], $0x800  }
0xc9: {  	s7 =	simm.s32 $0x100;
	s6 =	rddreg [dreg:$0x6];
	[sflag:s11] =	ssyncset.done $0x0  }
.LBB2_6:
0xca: {  	[sflag:s11] =	ssyncadd.s32 $0xFFFFF800;
	s6 =	sadd.s32 s7, s6  }
0xcb: {  	[tilespmem:s3], [sflag:$0x3] =	stream.linear.gather [hbm4b:s6+s3], $0x800, $0x38;
	[tilespmem:$0x1F700] =	vst v63  }
0xcc: {  	_ =	swait.ge [sflag:s11], $0x800  }
0xcd: {  	[sflag:s11] =	ssyncset.done $0x0  }
0xce: {  	s6 =	rddreg [dreg:$0x5];
	[sflag:s11] =	ssyncadd.s32 $0xFFFFF800  }
0xcf: {  	[tilespmem:s15], [sflag:$0x1] =	stream.indirect.gather [spmem:s0], $0x80, s3, s14, $0xb8;
	[tilespmem:$0x1F700] =	vst v63  }
0xd0: {  	s6 =	sadd.s32 s7, s6  }
0xd1: {  	[tilespmem:s16], [sflag:$0x3] =	stream.linear.gather [hbm4b:s6+s3], $0x800, $0x38;
	[tilespmem:$0x1F700] =	vst v63  }
0xd2: {  	_ =	swait.ge [sflag:s11], $0x800  }
0xd3: {  	s10 =	smov.u32 s4;
	[sflag:s11] =	ssyncset.done $0x0  }
0xd4: {  	s7 =	smov.u32 s10;
	s10 =	rddreg [dreg:$0x7];
	[sflag:s11] =	ssyncadd.s32 $0xFFFFF800  }
0xd5: {  	[tilespmem:s17], [sflag:$0x2] =	stream.indirect.gather [spmem:s0], $0x80, s10, s14, $0xb8;
	[tilespmem:$0x1F700] =	vst v63  }
0xd6: {  	_ =	swait.ge [sflag:s18], $0x800  }
0xd7: {  	[sflag:s18] =	ssyncset.done $0x0  }
0xd8: {  	[sflag:s18] =	ssyncadd.s32 $0xFFFFF800  }
0xd9: {  	[spmem:s2] =	stream.indirect.scatter.add.f32 [tilespmem:s15], [sflag:$0x3], $0x80, s16, s14, $0xb8;
	[tilespmem:$0x1F700] =	vst v63  }
0xda: {  	_ =	swait.ge [sflag:s11], $0x800  }
0xdb: {  	[sflag:s11] =	ssyncset.done $0x0  }
0xdc: {  	s10 =	rddreg [dreg:$0x8];
	[sflag:s11] =	ssyncadd.s32 $0xFFFFF800  }
0xdd: {  	[tilespmem:s15], [sflag:$0x1] =	stream.indirect.gather [spmem:s0], $0x80, s10, s14, $0xb8;
	[tilespmem:$0x1F700] =	vst v63  }
0xde: {  	_ =	swait.ge [sflag:s19], $0x800  }
0xdf: {  	[sflag:s19] =	ssyncset.done $0x0  }
0xe0: {  	s10 =	rddreg [dreg:$0x9];
	[sflag:s19] =	ssyncadd.s32 $0xFFFFF800  }
0xe1: {  	[spmem:s2] =	stream.indirect.scatter.add.f32 [tilespmem:s17], [sflag:$0x3], $0x80, s10, s14, $0xb8;
	[tilespmem:$0x1F700] =	vst v63  }
0xe2: {  	_ =	swait.ge [sflag:s11], $0x800  }
0xe3: {  	[sflag:s11] =	ssyncset.done $0x0  }
0xe4: {  	s10 =	rddreg [dreg:$0xa];
	[sflag:s11] =	ssyncadd.s32 $0xFFFFF800  }
0xe5: {  	[tilespmem:s17], [sflag:$0x2] =	stream.indirect.gather [spmem:s0], $0x80, s10, s14, $0xb8;
	[tilespmem:$0x1F700] =	vst v63  }
0xe6: {  	_ =	swait.ge [sflag:s18], $0x800  }
0xe7: {  	[sflag:s18] =	ssyncset.done $0x0  }
0xe8: {  	s10 =	rddreg [dreg:$0xb];
	[sflag:s18] =	ssyncadd.s32 $0xFFFFF800  }
0xe9: {  	[spmem:s2] =	stream.indirect.scatter.add.f32 [tilespmem:s15], [sflag:$0x3], $0x80, s10, s14, $0xb8;
	[tilespmem:$0x1F700] =	vst v63  }
0xea: {  	_ =	swait.ge [sflag:s11], $0x800  }
0xeb: {  	[sflag:s11] =	ssyncset.done $0x0  }
0xec: {  	s10 =	rddreg [dreg:$0xc];
	[sflag:s11] =	ssyncadd.s32 $0xFFFFF800  }
0xed: {  	[tilespmem:s15], [sflag:$0x1] =	stream.indirect.gather [spmem:s0], $0x80, s10, s14, $0xb8;
	[tilespmem:$0x1F700] =	vst v63  }
0xee: {  	_ =	swait.ge [sflag:s19], $0x800  }
0xef: {  	[sflag:s19] =	ssyncset.done $0x0  }
0xf0: {  	s10 =	rddreg [dreg:$0xd];
	[sflag:s19] =	ssyncadd.s32 $0xFFFFF800  }
0xf1: {  	[spmem:s2] =	stream.indirect.scatter.add.f32 [tilespmem:s17], [sflag:$0x3], $0x80, s10, s14, $0xb8;
	[tilespmem:$0x1F700] =	vst v63  }
0xf2: {  	_ =	swait.ge [sflag:s11], $0x800  }
0xf3: {  	[sflag:s11] =	ssyncset.done $0x0  }
0xf4: {  	s10 =	rddreg [dreg:$0xe];
	[sflag:s11] =	ssyncadd.s32 $0xFFFFF800  }
0xf5: {  	[tilespmem:s17], [sflag:$0x2] =	stream.indirect.gather [spmem:s0], $0x80, s10, s14, $0xb8;
	[tilespmem:$0x1F700] =	vst v63  }
0xf6: {  	_ =	swait.ge [sflag:s18], $0x800  }
0xf7: {  	[sflag:s18] =	ssyncset.done $0x0  }
0xf8: {  	s10 =	rddreg [dreg:$0xf];
	[sflag:s18] =	ssyncadd.s32 $0xFFFFF800  }
0xf9: {  	[spmem:s2] =	stream.indirect.scatter.add.f32 [tilespmem:s15], [sflag:$0x3], $0x80, s10, s14, $0xb8;
	[tilespmem:$0x1F700] =	vst v63  }
0xfa: {  	_ =	swait.ge [sflag:s11], $0x800  }
0xfb: {  	[sflag:s11] =	ssyncset.done $0x0  }
0xfc: {  	s10 =	rddreg [dreg:$0x10];
	[sflag:s11] =	ssyncadd.s32 $0xFFFFF800  }
0xfd: {  	[tilespmem:s15], [sflag:$0x1] =	stream.indirect.gather [spmem:s0], $0x80, s10, s14, $0xb8;
	[tilespmem:$0x1F700] =	vst v63  }
0xfe: {  	_ =	swait.ge [sflag:s19], $0x800  }
0xff: {  	[sflag:s19] =	ssyncset.done $0x0  }
0x100: {  	s10 =	rddreg [dreg:$0x11];
	[sflag:s19] =	ssyncadd.s32 $0xFFFFF800  }
0x101: {  	[spmem:s2] =	stream.indirect.scatter.add.f32 [tilespmem:s17], [sflag:$0x3], $0x80, s10, s14, $0xb8;
	[tilespmem:$0x1F700] =	vst v63  }
0x102: {  	_ =	swait.ge [sflag:s11], $0x800  }
0x103: {  	[sflag:s11] =	ssyncset.done $0x0  }
0x104: {  	s10 =	rddreg [dreg:$0x12];
	[sflag:s11] =	ssyncadd.s32 $0xFFFFF800  }
0x105: {  	[tilespmem:s17], [sflag:$0x2] =	stream.indirect.gather [spmem:s0], $0x80, s10, s14, $0xb8;
	[tilespmem:$0x1F700] =	vst v63  }
0x106: {  	_ =	swait.ge [sflag:s18], $0x800  }
0x107: {  	[sflag:s18] =	ssyncset.done $0x0  }
0x108: {  	s10 =	rddreg [dreg:$0x13];
	[sflag:s18] =	ssyncadd.s32 $0xFFFFF800  }
0x109: {  	[spmem:s2] =	stream.indirect.scatter.add.f32 [tilespmem:s15], [sflag:$0x3], $0x80, s10, s14, $0xb8;
	[tilespmem:$0x1F700] =	vst v63  }
0x10a: {  	_ =	swait.ge [sflag:s11], $0x800  }
0x10b: {  	[sflag:s11] =	ssyncset.done $0x0  }
0x10c: {  	[sflag:s11] =	ssyncadd.s32 $0xFFFFF800  }
0x10d: {  	[tilespmem:s15], [sflag:$0x1] =	stream.indirect.gather [spmem:s0], $0x80, s20, s14, $0xb8;
	[tilespmem:$0x1F700] =	vst v63  }
0x10e: {  	_ =	swait.ge [sflag:s19], $0x800  }
0x10f: {  	[sflag:s19] =	ssyncset.done $0x0  }
0x110: {  	[sflag:s19] =	ssyncadd.s32 $0xFFFFF800  }
0x111: {  	[spmem:s2] =	stream.indirect.scatter.add.f32 [tilespmem:s17], [sflag:$0x3], $0x80, s21, s14, $0xb8;
	[tilespmem:$0x1F700] =	vst v63  }
0x112: {  	_ =	swait.ge [sflag:s11], $0x800  }
0x113: {  	[sflag:s11] =	ssyncset.done $0x0  }
0x114: {  	[sflag:s11] =	ssyncadd.s32 $0xFFFFF800  }
0x115: {  	[tilespmem:s17], [sflag:$0x2] =	stream.indirect.gather [spmem:s0], $0x80, s22, s14, $0xb8;
	[tilespmem:$0x1F700] =	vst v63  }
0x116: {  	_ =	swait.ge [sflag:s18], $0x800  }
0x117: {  	[sflag:s18] =	ssyncset.done $0x0  }
0x118: {  	[sflag:s18] =	ssyncadd.s32 $0xFFFFF800  }
0x119: {  	[spmem:s2] =	stream.indirect.scatter.add.f32 [tilespmem:s15], [sflag:$0x3], $0x80, s23, s14, $0xb8;
	[tilespmem:$0x1F700] =	vst v63  }
0x11a: {  	_ =	swait.ge [sflag:s11], $0x800  }
0x11b: {  	[sflag:s11] =	ssyncset.done $0x0  }
0x11c: {  	[sflag:s11] =	ssyncadd.s32 $0xFFFFF800  }
0x11d: {  	[tilespmem:s15], [sflag:$0x1] =	stream.indirect.gather [spmem:s0], $0x80, s24, s14, $0xb8;
	[tilespmem:$0x1F700] =	vst v63  }
0x11e: {  	_ =	swait.ge [sflag:s19], $0x800  }
0x11f: {  	[sflag:s19] =	ssyncset.done $0x0  }
0x120: {  	[sflag:s19] =	ssyncadd.s32 $0xFFFFF800  }
0x121: {  	[spmem:s2] =	stream.indirect.scatter.add.f32 [tilespmem:s17], [sflag:$0x3], $0x80, s25, s14, $0xb8;
	[tilespmem:$0x1F700] =	vst v63  }
0x122: {  	_ =	swait.ge [sflag:s11], $0x800  }
0x123: {  	[sflag:s11] =	ssyncset.done $0x0  }
0x124: {  	[sflag:s11] =	ssyncadd.s32 $0xFFFFF800  }
0x125: {  	[tilespmem:s17], [sflag:$0x2] =	stream.indirect.gather [spmem:s0], $0x80, s26, s14, $0xb8;
	[tilespmem:$0x1F700] =	vst v63  }
0x126: {  	_ =	swait.ge [sflag:s18], $0x800  }
0x127: {  	[sflag:s18] =	ssyncset.done $0x0  }
0x128: {  	[sflag:s18] =	ssyncadd.s32 $0xFFFFF800  }
0x129: {  	[spmem:s2] =	stream.indirect.scatter.add.f32 [tilespmem:s15], [sflag:$0x3], $0x80, s28, s14, $0xb8;
	[tilespmem:$0x1F700] =	vst v63  }
0x12a: {  	_ =	swait.ge [sflag:s11], $0x800  }
0x12b: {  	[sflag:s11] =	ssyncset.done $0x0  }
0x12c: {  	[sflag:s11] =	ssyncadd.s32 $0xFFFFF800  }
0x12d: {  	[tilespmem:s15], [sflag:$0x1] =	stream.indirect.gather [spmem:s0], $0x80, s29, s14, $0xb8;
	[tilespmem:$0x1F700] =	vst v63  }
0x12e: {  	_ =	swait.ge [sflag:s19], $0x800  }
0x12f: {  	[sflag:s19] =	ssyncset.done $0x0  }
0x130: {  	[sflag:s19] =	ssyncadd.s32 $0xFFFFF800  }
0x131: {  	[spmem:s2] =	stream.indirect.scatter.add.f32 [tilespmem:s17], [sflag:$0x3], $0x80, s30, s14, $0xb8;
	[tilespmem:$0x1F700] =	vst v63  }
0x132: {  	_ =	swait.ge [sflag:s11], $0x800  }
0x133: {  	[sflag:s11] =	ssyncset.done $0x0  }
0x134: {  	[sflag:s11] =	ssyncadd.s32 $0xFFFFF800  }
0x135: {  	[tilespmem:s17], [sflag:$0x2] =	stream.indirect.gather [spmem:s0], $0x80, s31, s14, $0xb8;
	[tilespmem:$0x1F700] =	vst v63  }
0x136: {  	_ =	swait.ge [sflag:s18], $0x800  }
0x137: {  	[sflag:s18] =	ssyncset.done $0x0  }
0x138: {  	[sflag:s18] =	ssyncadd.s32 $0xFFFFF800  }
0x139: {  	[spmem:s2] =	stream.indirect.scatter.add.f32 [tilespmem:s15], [sflag:$0x3], $0x80, s1, s14, $0xb8;
	[tilespmem:$0x1F700] =	vst v63  }
0x13a: {  	_ =	swait.ge [sflag:s11], $0x800  }
0x13b: {  	[sflag:s11] =	ssyncset.done $0x0  }
0x13c: {  	[sflag:s11] =	ssyncadd.s32 $0xFFFFF800  }
0x13d: {  	[tilespmem:s15], [sflag:$0x1] =	stream.indirect.gather [spmem:s0], $0x80, s12, s14, $0xb8;
	[tilespmem:$0x1F700] =	vst v63  }
0x13e: {  	_ =	swait.ge [sflag:s19], $0x800  }
0x13f: {  	[sflag:s19] =	ssyncset.done $0x0  }
0x140: {  	[sflag:s19] =	ssyncadd.s32 $0xFFFFF800  }
0x141: {  	[spmem:s2] =	stream.indirect.scatter.add.f32 [tilespmem:s17], [sflag:$0x3], $0x80, s13, s14, $0xb8;
	[tilespmem:$0x1F700] =	vst v63  }
0x142: {  	_ =	swait.ge [sflag:s11], $0x800  }
0x143: {  	[sflag:s11] =	ssyncset.done $0x0  }
0x144: {  	[sflag:s11] =	ssyncadd.s32 $0xFFFFF800  }
0x145: {  	[tilespmem:s17], [sflag:$0x2] =	stream.indirect.gather [spmem:s0], $0x80, s5, s14, $0xb8;
	[tilespmem:$0x1F700] =	vst v63  }
0x146: {  	_ =	swait.ge [sflag:s18], $0x800  }
0x147: {  	[sflag:s18] =	ssyncset.done $0x0  }
0x148: {  	[sflag:s18] =	ssyncadd.s32 $0xFFFFF800  }
0x149: {  	[spmem:s2] =	stream.indirect.scatter.add.f32 [tilespmem:s15], [sflag:$0x3], $0x80, s8, s14, $0xb8;
	[tilespmem:$0x1F700] =	vst v63  }
0x14a: {  	_ =	swait.ge [sflag:s11], $0x800  }
0x14b: {  	[sflag:s11] =	ssyncset.done $0x0  }
0x14c: {  	[sflag:s11] =	ssyncadd.s32 $0xFFFFF800  }
0x14d: {  	p3 =	sne.s32 s4, $0x4E00;
	_ =	swait.ge [sflag:s19], $0x800  }
.Ltmp3:
0x14e: {  	[sflag:s19] =	ssyncset.done $0x0;
	(pc) =	sbr.rel @p3 .LBB2_6-.Ltmp3, $4  }
0x14f: {  	[sflag:s19] =	ssyncadd.s32 $0xFFFFF800  }
0x150: {  	[spmem:s2] =	stream.indirect.scatter.add.f32 [tilespmem:s17], [sflag:$0x3], $0x80, s9, s14, $0xb8;
	[tilespmem:$0x1F700] =	vst v63  }
0x151: {  	_ =	swait.ge [sflag:s11], $0x800  }
0x152: {  	s4 =	sadd.s32 $0x100, s4;
	s6 =	rddreg [dreg:$0x6];
	[sflag:s11] =	ssyncset.done $0x0  }
0x153: {  	[sflag:s11] =	ssyncadd.s32 $0xFFFFF800;
	s4 =	sadd.s32 s7, s6  }
0x154: {  	[tilespmem:s3], [sflag:$0x3] =	stream.linear.gather [hbm4b:s4+s3], $0x800, $0x38;
	[tilespmem:$0x1F700] =	vst v63  }
0x155: {  	_ =	swait.ge [sflag:s11], $0x800  }
0x156: {  	[sflag:s11] =	ssyncset.done $0x0  }
0x157: {  	s6 =	rddreg [dreg:$0x5];
	[sflag:s11] =	ssyncadd.s32 $0xFFFFF800  }
0x158: {  	[tilespmem:s15], [sflag:$0x1] =	stream.indirect.gather [spmem:s0], $0x80, s3, s14, $0xb8;
	[tilespmem:$0x1F700] =	vst v63  }
0x159: {  	s4 =	sadd.s32 s7, s6  }
0x15a: {  	[tilespmem:s16], [sflag:$0x3] =	stream.linear.gather [hbm4b:s4+s3], $0x800, $0x38;
	[tilespmem:$0x1F700] =	vst v63  }
0x15b: {  	_ =	swait.ge [sflag:s11], $0x800  }
0x15c: {  	[sflag:s11] =	ssyncset.done $0x0  }
0x15d: {  	s10 =	rddreg [dreg:$0x7];
	[sflag:s11] =	ssyncadd.s32 $0xFFFFF800  }
0x15e: {  	[tilespmem:s17], [sflag:$0x2] =	stream.indirect.gather [spmem:s0], $0x80, s10, s14, $0xb8;
	[tilespmem:$0x1F700] =	vst v63  }
0x15f: {  	_ =	swait.ge [sflag:s18], $0x800  }
0x160: {  	[sflag:s18] =	ssyncset.done $0x0  }
0x161: {  	[sflag:s18] =	ssyncadd.s32 $0xFFFFF800  }
0x162: {  	[spmem:s2] =	stream.indirect.scatter.add.f32 [tilespmem:s15], [sflag:$0x3], $0x80, s16, s14, $0xb8;
	[tilespmem:$0x1F700] =	vst v63  }
0x163: {  	_ =	swait.ge [sflag:s11], $0x800  }
0x164: {  	[sflag:s11] =	ssyncset.done $0x0  }
0x165: {  	s6 =	rddreg [dreg:$0x8];
	[sflag:s11] =	ssyncadd.s32 $0xFFFFF800  }
0x166: {  	[tilespmem:s15], [sflag:$0x1] =	stream.indirect.gather [spmem:s0], $0x80, s6, s14, $0xb8;
	[tilespmem:$0x1F700] =	vst v63  }
0x167: {  	_ =	swait.ge [sflag:s19], $0x800  }
0x168: {  	[sflag:s19] =	ssyncset.done $0x0  }
0x169: {  	s7 =	rddreg [dreg:$0x9];
	[sflag:s19] =	ssyncadd.s32 $0xFFFFF800  }
0x16a: {  	[spmem:s2] =	stream.indirect.scatter.add.f32 [tilespmem:s17], [sflag:$0x3], $0x80, s7, s14, $0xb8;
	[tilespmem:$0x1F700] =	vst v63  }
0x16b: {  	_ =	swait.ge [sflag:s11], $0x800  }
0x16c: {  	[sflag:s11] =	ssyncset.done $0x0  }
0x16d: {  	s10 =	rddreg [dreg:$0xa];
	[sflag:s11] =	ssyncadd.s32 $0xFFFFF800  }
0x16e: {  	[tilespmem:s17], [sflag:$0x2] =	stream.indirect.gather [spmem:s0], $0x80, s10, s14, $0xb8;
	[tilespmem:$0x1F700] =	vst v63  }
0x16f: {  	_ =	swait.ge [sflag:s18], $0x800  }
0x170: {  	[sflag:s18] =	ssyncset.done $0x0  }
0x171: {  	s6 =	rddreg [dreg:$0xb];
	[sflag:s18] =	ssyncadd.s32 $0xFFFFF800  }
0x172: {  	[spmem:s2] =	stream.indirect.scatter.add.f32 [tilespmem:s15], [sflag:$0x3], $0x80, s6, s14, $0xb8;
	[tilespmem:$0x1F700] =	vst v63  }
0x173: {  	_ =	swait.ge [sflag:s11], $0x800  }
0x174: {  	[sflag:s11] =	ssyncset.done $0x0  }
0x175: {  	s7 =	rddreg [dreg:$0xc];
	[sflag:s11] =	ssyncadd.s32 $0xFFFFF800  }
0x176: {  	[tilespmem:s15], [sflag:$0x1] =	stream.indirect.gather [spmem:s0], $0x80, s7, s14, $0xb8;
	[tilespmem:$0x1F700] =	vst v63  }
0x177: {  	_ =	swait.ge [sflag:s19], $0x800  }
0x178: {  	[sflag:s19] =	ssyncset.done $0x0  }
0x179: {  	s10 =	rddreg [dreg:$0xd];
	[sflag:s19] =	ssyncadd.s32 $0xFFFFF800  }
0x17a: {  	[spmem:s2] =	stream.indirect.scatter.add.f32 [tilespmem:s17], [sflag:$0x3], $0x80, s10, s14, $0xb8;
	[tilespmem:$0x1F700] =	vst v63  }
0x17b: {  	_ =	swait.ge [sflag:s11], $0x800  }
0x17c: {  	[sflag:s11] =	ssyncset.done $0x0  }
0x17d: {  	s6 =	rddreg [dreg:$0xe];
	[sflag:s11] =	ssyncadd.s32 $0xFFFFF800  }
0x17e: {  	[tilespmem:s17], [sflag:$0x2] =	stream.indirect.gather [spmem:s0], $0x80, s6, s14, $0xb8;
	[tilespmem:$0x1F700] =	vst v63  }
0x17f: {  	_ =	swait.ge [sflag:s18], $0x800  }
0x180: {  	[sflag:s18] =	ssyncset.done $0x0  }
0x181: {  	s7 =	rddreg [dreg:$0xf];
	[sflag:s18] =	ssyncadd.s32 $0xFFFFF800  }
0x182: {  	[spmem:s2] =	stream.indirect.scatter.add.f32 [tilespmem:s15], [sflag:$0x3], $0x80, s7, s14, $0xb8;
	[tilespmem:$0x1F700] =	vst v63  }
0x183: {  	_ =	swait.ge [sflag:s11], $0x800  }
0x184: {  	[sflag:s11] =	ssyncset.done $0x0  }
0x185: {  	s10 =	rddreg [dreg:$0x10];
	[sflag:s11] =	ssyncadd.s32 $0xFFFFF800  }
0x186: {  	[tilespmem:s15], [sflag:$0x1] =	stream.indirect.gather [spmem:s0], $0x80, s10, s14, $0xb8;
	[tilespmem:$0x1F700] =	vst v63  }
0x187: {  	_ =	swait.ge [sflag:s19], $0x800  }
0x188: {  	[sflag:s19] =	ssyncset.done $0x0  }
0x189: {  	s6 =	rddreg [dreg:$0x11];
	[sflag:s19] =	ssyncadd.s32 $0xFFFFF800  }
0x18a: {  	[spmem:s2] =	stream.indirect.scatter.add.f32 [tilespmem:s17], [sflag:$0x3], $0x80, s6, s14, $0xb8;
	[tilespmem:$0x1F700] =	vst v63  }
0x18b: {  	_ =	swait.ge [sflag:s11], $0x800  }
0x18c: {  	[sflag:s11] =	ssyncset.done $0x0  }
0x18d: {  	s7 =	rddreg [dreg:$0x12];
	[sflag:s11] =	ssyncadd.s32 $0xFFFFF800  }
0x18e: {  	[tilespmem:s17], [sflag:$0x2] =	stream.indirect.gather [spmem:s0], $0x80, s7, s14, $0xb8;
	[tilespmem:$0x1F700] =	vst v63  }
0x18f: {  	_ =	swait.ge [sflag:s18], $0x800  }
0x190: {  	[sflag:s18] =	ssyncset.done $0x0  }
0x191: {  	s10 =	rddreg [dreg:$0x13];
	[sflag:s18] =	ssyncadd.s32 $0xFFFFF800  }
0x192: {  	[spmem:s2] =	stream.indirect.scatter.add.f32 [tilespmem:s15], [sflag:$0x3], $0x80, s10, s14, $0xb8;
	[tilespmem:$0x1F700] =	vst v63  }
0x193: {  	_ =	swait.ge [sflag:s11], $0x800  }
0x194: {  	[sflag:s11] =	ssyncset.done $0x0  }
0x195: {  	[sflag:s11] =	ssyncadd.s32 $0xFFFFF800  }
0x196: {  	[tilespmem:s15], [sflag:$0x1] =	stream.indirect.gather [spmem:s0], $0x80, s20, s14, $0xb8;
	[tilespmem:$0x1F700] =	vst v63  }
0x197: {  	_ =	swait.ge [sflag:s19], $0x800  }
0x198: {  	[sflag:s19] =	ssyncset.done $0x0  }
0x199: {  	[sflag:s19] =	ssyncadd.s32 $0xFFFFF800  }
0x19a: {  	[spmem:s2] =	stream.indirect.scatter.add.f32 [tilespmem:s17], [sflag:$0x3], $0x80, s21, s14, $0xb8;
	[tilespmem:$0x1F700] =	vst v63  }
0x19b: {  	_ =	swait.ge [sflag:s11], $0x800  }
0x19c: {  	[sflag:s11] =	ssyncset.done $0x0  }
0x19d: {  	[sflag:s11] =	ssyncadd.s32 $0xFFFFF800  }
0x19e: {  	[tilespmem:s17], [sflag:$0x2] =	stream.indirect.gather [spmem:s0], $0x80, s22, s14, $0xb8;
	[tilespmem:$0x1F700] =	vst v63  }
0x19f: {  	_ =	swait.ge [sflag:s18], $0x800  }
0x1a0: {  	[sflag:s18] =	ssyncset.done $0x0  }
0x1a1: {  	[sflag:s18] =	ssyncadd.s32 $0xFFFFF800  }
0x1a2: {  	[spmem:s2] =	stream.indirect.scatter.add.f32 [tilespmem:s15], [sflag:$0x3], $0x80, s23, s14, $0xb8;
	[tilespmem:$0x1F700] =	vst v63  }
0x1a3: {  	_ =	swait.ge [sflag:s11], $0x800  }
0x1a4: {  	[sflag:s11] =	ssyncset.done $0x0  }
0x1a5: {  	[sflag:s11] =	ssyncadd.s32 $0xFFFFF800  }
0x1a6: {  	[tilespmem:s15], [sflag:$0x1] =	stream.indirect.gather [spmem:s0], $0x80, s24, s14, $0xb8;
	[tilespmem:$0x1F700] =	vst v63  }
0x1a7: {  	_ =	swait.ge [sflag:s19], $0x800  }
0x1a8: {  	[sflag:s19] =	ssyncset.done $0x0  }
0x1a9: {  	[sflag:s19] =	ssyncadd.s32 $0xFFFFF800  }
0x1aa: {  	[spmem:s2] =	stream.indirect.scatter.add.f32 [tilespmem:s17], [sflag:$0x3], $0x80, s25, s14, $0xb8;
	[tilespmem:$0x1F700] =	vst v63  }
0x1ab: {  	_ =	swait.ge [sflag:s11], $0x800  }
0x1ac: {  	[sflag:s11] =	ssyncset.done $0x0  }
0x1ad: {  	[sflag:s11] =	ssyncadd.s32 $0xFFFFF800  }
0x1ae: {  	[tilespmem:s17], [sflag:$0x2] =	stream.indirect.gather [spmem:s0], $0x80, s26, s14, $0xb8;
	[tilespmem:$0x1F700] =	vst v63  }
0x1af: {  	_ =	swait.ge [sflag:s18], $0x800  }
0x1b0: {  	[sflag:s18] =	ssyncset.done $0x0  }
0x1b1: {  	[sflag:s18] =	ssyncadd.s32 $0xFFFFF800  }
0x1b2: {  	[spmem:s2] =	stream.indirect.scatter.add.f32 [tilespmem:s15], [sflag:$0x3], $0x80, s28, s14, $0xb8;
	[tilespmem:$0x1F700] =	vst v63  }
0x1b3: {  	_ =	swait.ge [sflag:s11], $0x800  }
0x1b4: {  	[sflag:s11] =	ssyncset.done $0x0  }
0x1b5: {  	[sflag:s11] =	ssyncadd.s32 $0xFFFFF800  }
0x1b6: {  	[tilespmem:s15], [sflag:$0x1] =	stream.indirect.gather [spmem:s0], $0x80, s29, s14, $0xb8;
	[tilespmem:$0x1F700] =	vst v63  }
0x1b7: {  	_ =	swait.ge [sflag:s19], $0x800  }
0x1b8: {  	[sflag:s19] =	ssyncset.done $0x0  }
0x1b9: {  	[sflag:s19] =	ssyncadd.s32 $0xFFFFF800  }
0x1ba: {  	[spmem:s2] =	stream.indirect.scatter.add.f32 [tilespmem:s17], [sflag:$0x3], $0x80, s30, s14, $0xb8;
	[tilespmem:$0x1F700] =	vst v63  }
0x1bb: {  	_ =	swait.ge [sflag:s11], $0x800  }
0x1bc: {  	[sflag:s11] =	ssyncset.done $0x0  }
0x1bd: {  	[sflag:s11] =	ssyncadd.s32 $0xFFFFF800  }
0x1be: {  	[tilespmem:s17], [sflag:$0x2] =	stream.indirect.gather [spmem:s0], $0x80, s31, s14, $0xb8;
	[tilespmem:$0x1F700] =	vst v63  }
0x1bf: {  	_ =	swait.ge [sflag:s18], $0x800  }
0x1c0: {  	[sflag:s18] =	ssyncset.done $0x0  }
0x1c1: {  	[sflag:s18] =	ssyncadd.s32 $0xFFFFF800  }
0x1c2: {  	[spmem:s2] =	stream.indirect.scatter.add.f32 [tilespmem:s15], [sflag:$0x3], $0x80, s1, s14, $0xb8;
	[tilespmem:$0x1F700] =	vst v63  }
0x1c3: {  	_ =	swait.ge [sflag:s11], $0x800  }
0x1c4: {  	[sflag:s11] =	ssyncset.done $0x0  }
0x1c5: {  	[sflag:s11] =	ssyncadd.s32 $0xFFFFF800  }
0x1c6: {  	[tilespmem:s15], [sflag:$0x1] =	stream.indirect.gather [spmem:s0], $0x80, s12, s14, $0xb8;
	[tilespmem:$0x1F700] =	vst v63  }
0x1c7: {  	_ =	swait.ge [sflag:s19], $0x800  }
0x1c8: {  	[sflag:s19] =	ssyncset.done $0x0  }
0x1c9: {  	[sflag:s19] =	ssyncadd.s32 $0xFFFFF800  }
0x1ca: {  	[spmem:s2] =	stream.indirect.scatter.add.f32 [tilespmem:s17], [sflag:$0x3], $0x80, s13, s14, $0xb8;
	[tilespmem:$0x1F700] =	vst v63  }
0x1cb: {  	_ =	swait.ge [sflag:s11], $0x800  }
0x1cc: {  	[sflag:s11] =	ssyncset.done $0x0  }
0x1cd: {  	[sflag:s11] =	ssyncadd.s32 $0xFFFFF800  }
0x1ce: {  	[tilespmem:s17], [sflag:$0x2] =	stream.indirect.gather [spmem:s0], $0x80, s5, s14, $0xb8;
	[tilespmem:$0x1F700] =	vst v63  }
0x1cf: {  	_ =	swait.ge [sflag:s18], $0x800  }
0x1d0: {  	[sflag:s18] =	ssyncset.done $0x0  }
0x1d1: {  	[sflag:s18] =	ssyncadd.s32 $0xFFFFF800  }
0x1d2: {  	[spmem:s2] =	stream.indirect.scatter.add.f32 [tilespmem:s15], [sflag:$0x3], $0x80, s8, s14, $0xb8;
	[tilespmem:$0x1F700] =	vst v63  }
0x1d3: {  	_ =	swait.ge [sflag:s11], $0x800  }
0x1d4: {  	[sflag:s11] =	ssyncset.done $0x0  }
0x1d5: {  	[sflag:s11] =	ssyncadd.s32 $0xFFFFF800  }
0x1d6: {  	_ =	swait.ge [sflag:s19], $0x800  }
0x1d7: {  	[sflag:s19] =	ssyncset.done $0x0  }
0x1d8: {  	[sflag:s19] =	ssyncadd.s32 $0xFFFFF800  }
0x1d9: {  	[spmem:s2] =	stream.indirect.scatter.add.f32 [tilespmem:s17], [sflag:$0x3], $0x80, s9, s14, $0xb8;
	[tilespmem:$0x1F700] =	vst v63  }
0x1da: {  	_ =	swait.ge [sflag:s11], $0x800  }
0x1db: {  	[sflag:s11] =	ssyncset.done $0x0  }
0x1dc: {  	[sflag:s11] =	ssyncadd.s32 $0xFFFFF800  }
0x1dd: {  	[bflag:$0x0] =	sbarrier.arrive $0xFFFF  }
0x1de: {  	s4 =	rddreg [dreg:$0x17]  }
0x1df: {  	s6 =	rddreg [dreg:$0x16]  }
0x1e0: {  	s7 =	rddreg [dreg:$0x18];
	s4 =	sshrl.u32 @p2 s4, $0x3  }
0x1e1: {  	[hbm:s7], [sflag:s6] =	dma.local @p2 [spmem:s4], $0x2780  }
0x1e2: {  	s4 =	simm.s32 @p2 $0x3  }
0x1e3: {  	_ =	swait.ge @p2 [sflag:s4], $0x2780  }
0x1e4: {  	s10 =	rddreg [dreg:$0x1d]  }
0x1e5: {  	s7 =	rddreg [dreg:$0x19];
	s10 =	sadd.s32 $0x1, s10  }
0x1e6: {  	p3 =	sne.s32 s10, s7  }
.Ltmp4:
0x1e7: {  	_ = 	snop;
	(pc) =	sbr.rel @p3 .LBB2_1-.Ltmp4, $3  }
0x1e8: {  	_ =	sdelay $0x1  }
0x1e9: {  	[sflag:s4] =	ssyncset.done @p2 $0x0  }
0x1ea: {  	[sflag:s4] =	ssyncadd.s32 @p2 $0xFFFFD880  }
0x1eb: {  	_ =	sfence.sel $0x180000  }
0x1ec: {  	[bflag:$0x0] =	sbarrier.arrive $0xFFFF  }
0x1ed: {  	_ =	strace $0x9000004A  }
0x1ee: {  	[bflag:$0x2] =	sbarrier.arrive $0xFFFF  }
0x1ef: {  	s0 =	rddreg [dreg:$0x4]  }
0x1f0: {  	s0 =	sadd.s32 @!p0 $0x100000, s0  }
0x1f1: {  	[sflag:s0] =	ssyncadd.tile.s32 @!p0 $0x1;
	_ =	shalt  }
.Lfunc_end2:
_tile_overlayer_lowered:
.L_overlay_start_2:
0x1f2: {  	(tag) =	ssettag $0x2  }
0x1f3: {  	s0 =	rddreg [dreg:$0x0];
	s2 =	stileid.u32  }
0x1f4: {  	s1 =	rddreg [dreg:$0x1];
	p0 =	sne.s32 s2, $0x0  }
0x1f5: {  	s3 =	rddreg [dreg:$0x2];
	[bflag:$0x3] =	sbarrier.arrive $0xFFFF;
	s2 =	simm.s32 @!p0 $0x1C03  }
0x1f6: {  	[timem:s3], [sflag:s2] =	dma.local @!p0 [hbm:s0], s1  }
0x1f7: {  	s0 =	simm.s32 @!p0 $0x3  }
0x1f8: {  	_ =	swait.ge @!p0 [sflag:s0], s1  }
0x1f9: {  	s1 =	ssub.s32 @!p0 $0x0, s1;
	[sflag:s0] =	ssyncset.done @!p0 $0x0  }
0x1fa: {  	[sflag:s0] =	ssyncadd.s32 @!p0 s1  }
0x1fb: {  	[bflag:$0x3] =	sbarrier.arrive $0xFFFF  }
0x1fc: {  	_ =	shalt  }

</sc_bundles>
